<compile_context>
chip_gen: v7x
topology: tpu7x:2x2x1
jax: 0.10.2.dev20260603
libtpu: 0.0.44.dev20260713+nightly
codegen_flags: <defaults>
</compile_context>

<pallas_src>
import functools

import jax
import jax.numpy as jnp
from jax import lax
from jax.experimental import pallas as pl
from jax.experimental.pallas import tpu as pltpu
from jax.experimental.pallas import tpu_sc as plsc

N_ATOMS = 1048576
N_TYPES = 100
N_SEG = 16384
NC = 2
NS = 16
NW = NC * NS
L = 16
CHUNK = N_ATOMS // NW
VECS = CHUNK // L
W_PAD = 128
NQ = 4
QC = CHUNK // NQ

_mesh = plsc.VectorSubcoreMesh(
    core_axis_name="c", subcore_axis_name="s", num_cores=NC, num_subcores=NS
)


@functools.partial(
    pl.kernel,
    out_type=jax.ShapeDtypeStruct((NW, N_SEG), jnp.float32),
    mesh=_mesh,
    compiler_params=pltpu.CompilerParams(needs_layout_passes=False),
    scratch_types=[
        pltpu.VMEM((W_PAD,), jnp.float32),
        pltpu.VMEM((CHUNK,), jnp.int32),
        pltpu.VMEM((CHUNK + L,), jnp.int32),
        pltpu.VMEM((N_SEG,), jnp.float32),
        pltpu.SemaphoreType.DMA,
        [pltpu.SemaphoreType.DMA] * NQ,
        [pltpu.SemaphoreType.DMA] * NQ,
    ],
)
def _sc_segsum(w_hbm, t_hbm, s_hbm, out_hbm, w_v, t_v, s_v, acc_v,
               w_sem, t_sems, s_sems):
    wid = lax.axis_index("s") * NC + lax.axis_index("c")
    base = wid * CHUNK

    w_cp = pltpu.async_copy(w_hbm, w_v.at[pl.ds(0, N_TYPES)], w_sem)
    t_cps = []
    s_cps = []
    for q in range(NQ):
        t_cps.append(pltpu.async_copy(
            t_hbm.at[pl.ds(base + q * QC, QC)],
            t_v.at[pl.ds(q * QC, QC)], t_sems[q]))
        s_cps.append(pltpu.async_copy(
            s_hbm.at[pl.ds(base + q * QC, QC)],
            s_v.at[pl.ds(q * QC, QC)], s_sems[q]))

    zero = jnp.zeros((L,), jnp.float32)

    @plsc.parallel_loop(0, N_SEG, step=L, unroll=8)
    def _(k):
        acc_v[pl.ds(k, L)] = zero

    lane = lax.iota(jnp.int32, L)
    is_last = lane == (L - 1)
    not_last = lane < (L - 1)

    w_cp.wait()
    for q in range(NQ):
        t_cps[q].wait()
        s_cps[q].wait()

        @plsc.parallel_loop(q * QC, (q + 1) * QC, step=L, unroll=16)
        def _(k):
            t = t_v[pl.ds(k, L)]
            seg = s_v[pl.ds(k, L)]
            segn = s_v[pl.ds(k + 1, L)]
            w = plsc.load_gather(w_v, [t])
            c = plsc.cumsum(w)
            mb = (seg != segn) & not_last
            mp = mb | is_last
            plsc.addupdate_scatter(acc_v, [seg], c, mask=mp)
            segn_safe = jnp.where(mb, segn, 0)
            plsc.addupdate_scatter(acc_v, [segn_safe], -c, mask=mb)

    pltpu.sync_copy(acc_v, out_hbm.at[wid])


def _reduce_body(x_ref, o_ref):
    o_ref[...] = jnp.sum(x_ref[...], axis=0, keepdims=True)


def kernel(weights, types, segment_ids):
    partials = _sc_segsum(
        weights.reshape(-1).astype(jnp.float32),
        types.astype(jnp.int32),
        segment_ids.astype(jnp.int32),
    )
    out = pl.pallas_call(
        _reduce_body,
        out_shape=jax.ShapeDtypeStruct((1, N_SEG), jnp.float32),
    )(partials)
    return out.reshape(N_SEG, 1)

# --- scband reference (transcript-rebuilt; emitter-appended) ---
"""Pipeline reference for scband-composition-model-28879360099091 (READ-ONLY COPY).

The authoritative reference and input builder live on the scoring server;
editing this copy changes nothing except your own understanding.
"""

import jax, jax.numpy as jnp
import numpy as np

N_ATOMS = 1048576
N_TYPES = 100
N_STRUCTURES = 16384
N_TARGETS = 1


def setup_inputs(seed: int = 0) -> dict:
    key = jax.random.key(seed)
    k1, k2, k3 = jax.random.split(key, 3)
    # learned/fitted composition weights buffer: [n_targets, n_atomic_types]
    weights = jax.random.normal(k1, (N_TARGETS, N_TYPES), dtype=jnp.float32)
    # per-atom atomic-type index (already mapped into the sorted atomic_types order)
    types = jax.random.randint(k2, (N_ATOMS,), 0, N_TYPES)
    # per-atom structure id (atoms of the same system are contiguous), sorted
    segment_ids = jnp.sort(jax.random.randint(k3, (N_ATOMS,), 0, N_STRUCTURES))
    return {"weights": weights, "types": types, "segment_ids": segment_ids}


def reference(weights, types, segment_ids):
    # CompositionModel.forward: for each system, prediction = sum over its atoms of
    # weights[target_index, type_index(atom)].  This is an embedding lookup over the
    # tiny per-type weight table followed by a per-structure segment-sum.
    per_atom = jnp.take(weights, types, axis=1)            # [n_targets, n_atoms]
    per_atom = jnp.transpose(per_atom)                     # [n_atoms, n_targets]
    per_structure = jax.ops.segment_sum(
        per_atom, segment_ids, num_segments=N_STRUCTURES
    )                                                      # [n_structures, n_targets]
    return per_structure

if __name__ == "__main__":
    import jax
    _d = setup_inputs()
    print(jax.jit(kernel)(*tuple(_d.values())))

</pallas_src>

<mosaic_0001>
#map = affine_map<(d0, d1) -> (0)>
#map1 = affine_map<(d0, d1) -> (0, 0)>
module attributes {stable_mosaic.version = 14 : i64} {
  func.func @_sc_segsum(%arg0: i32, %arg1: i32, %arg2: memref<100xf32, #tpu.memory_space<hbm>>, %arg3: memref<1048576xi32, #tpu.memory_space<hbm>>, %arg4: memref<1048576xi32, #tpu.memory_space<hbm>>, %arg5: memref<32x16384xf32, #tpu.memory_space<hbm>>, %arg6: memref<128xf32, #tpu.memory_space<vmem>>, %arg7: memref<32768xi32, #tpu.memory_space<vmem>>, %arg8: memref<32784xi32, #tpu.memory_space<vmem>>, %arg9: memref<16384xf32, #tpu.memory_space<vmem>>, %arg10: memref<!tpu.dma_semaphore, #tpu.memory_space<semaphore_mem>>, %arg11: memref<!tpu.dma_semaphore, #tpu.memory_space<semaphore_mem>>, %arg12: memref<!tpu.dma_semaphore, #tpu.memory_space<semaphore_mem>>, %arg13: memref<!tpu.dma_semaphore, #tpu.memory_space<semaphore_mem>>, %arg14: memref<!tpu.dma_semaphore, #tpu.memory_space<semaphore_mem>>, %arg15: memref<!tpu.dma_semaphore, #tpu.memory_space<semaphore_mem>>, %arg16: memref<!tpu.dma_semaphore, #tpu.memory_space<semaphore_mem>>, %arg17: memref<!tpu.dma_semaphore, #tpu.memory_space<semaphore_mem>>, %arg18: memref<!tpu.dma_semaphore, #tpu.memory_space<semaphore_mem>>) attributes {dimension_semantics = [#tpu.dimension_semantics<core_parallel>, #tpu.dimension_semantics<subcore_parallel>], iteration_bounds = array<i64: 2, 16>, scalar_prefetch = 0 : i64, scratch_operands = 13 : i64, tpu.core_type = #tpu.core_type<sc_vector_subcore>, window_params = [{transform_indices = #map}, {transform_indices = #map}, {transform_indices = #map}, {transform_indices = #map1}]} {
    %mul3A = arith.constant 2 : i32
    %mul3A_0 = arith.muli %arg1, %mul3A : i32
    %add3A = arith.addi %mul3A_0, %arg0 : i32
    %mul3A_1 = arith.constant 32768 : i32
    %mul3A_2 = arith.muli %add3A, %mul3A_1 : i32
    %dma_start3A = arith.constant 0 : i32
    %dma_start3A_3 = tpu.memref_slice %arg6[%dma_start3A] : memref<128xf32, #tpu.memory_space<vmem>> -> memref<100xf32, #tpu.memory_space<vmem>>
    %dma_start3A_4 = arith.constant 0 : i32
    %dma_start3A_5 = tpu.memref_slice %arg6[%dma_start3A_4] : memref<128xf32, #tpu.memory_space<vmem>> -> memref<100xf32, #tpu.memory_space<vmem>>
    tpu.enqueue_dma source(%arg2 : memref<100xf32, #tpu.memory_space<hbm>>) target(%dma_start3A_5 : memref<100xf32, #tpu.memory_space<vmem>>) target_semaphore(%arg10 : memref<!tpu.dma_semaphore, #tpu.memory_space<semaphore_mem>>)
    %add3A_6 = arith.constant 0 : i32
    %add3A_7 = arith.addi %mul3A_2, %add3A_6 : i32
    %dma_start3A_8 = arith.constant 0 : i32
    %dma_start3A_9 = tpu.memref_slice %arg7[%dma_start3A_8] : memref<32768xi32, #tpu.memory_space<vmem>> -> memref<8192xi32, #tpu.memory_space<vmem>>
    %dma_start3A_10 = tpu.memref_slice %arg3[%add3A_7] : memref<1048576xi32, #tpu.memory_space<hbm>> -> memref<8192xi32, #tpu.memory_space<hbm>>
    %dma_start3A_11 = arith.constant 0 : i32
    %dma_start3A_12 = tpu.memref_slice %arg7[%dma_start3A_11] : memref<32768xi32, #tpu.memory_space<vmem>> -> memref<8192xi32, #tpu.memory_space<vmem>>
    %dma_start3A_13 = tpu.memref_slice %arg3[%add3A_7] : memref<1048576xi32, #tpu.memory_space<hbm>> -> memref<8192xi32, #tpu.memory_space<hbm>>
    tpu.enqueue_dma source(%dma_start3A_13 : memref<8192xi32, #tpu.memory_space<hbm>>) target(%dma_start3A_12 : memref<8192xi32, #tpu.memory_space<vmem>>) target_semaphore(%arg11 : memref<!tpu.dma_semaphore, #tpu.memory_space<semaphore_mem>>)
    %add3A_14 = arith.constant 0 : i32
    %add3A_15 = arith.addi %mul3A_2, %add3A_14 : i32
    %dma_start3A_16 = arith.constant 0 : i32
    %dma_start3A_17 = tpu.memref_slice %arg8[%dma_start3A_16] : memref<32784xi32, #tpu.memory_space<vmem>> -> memref<8192xi32, #tpu.memory_space<vmem>>
    %dma_start3A_18 = tpu.memref_slice %arg4[%add3A_15] : memref<1048576xi32, #tpu.memory_space<hbm>> -> memref<8192xi32, #tpu.memory_space<hbm>>
    %dma_start3A_19 = arith.constant 0 : i32
    %dma_start3A_20 = tpu.memref_slice %arg8[%dma_start3A_19] : memref<32784xi32, #tpu.memory_space<vmem>> -> memref<8192xi32, #tpu.memory_space<vmem>>
    %dma_start3A_21 = tpu.memref_slice %arg4[%add3A_15] : memref<1048576xi32, #tpu.memory_space<hbm>> -> memref<8192xi32, #tpu.memory_space<hbm>>
    tpu.enqueue_dma source(%dma_start3A_21 : memref<8192xi32, #tpu.memory_space<hbm>>) target(%dma_start3A_20 : memref<8192xi32, #tpu.memory_space<vmem>>) target_semaphore(%arg15 : memref<!tpu.dma_semaphore, #tpu.memory_space<semaphore_mem>>)
    %add3A_22 = arith.constant 8192 : i32
    %add3A_23 = arith.addi %mul3A_2, %add3A_22 : i32
    %dma_start3A_24 = arith.constant 8192 : i32
    %dma_start3A_25 = tpu.memref_slice %arg7[%dma_start3A_24] : memref<32768xi32, #tpu.memory_space<vmem>> -> memref<8192xi32, #tpu.memory_space<vmem>>
    %dma_start3A_26 = tpu.memref_slice %arg3[%add3A_23] : memref<1048576xi32, #tpu.memory_space<hbm>> -> memref<8192xi32, #tpu.memory_space<hbm>>
    %dma_start3A_27 = arith.constant 8192 : i32
    %dma_start3A_28 = tpu.memref_slice %arg7[%dma_start3A_27] : memref<32768xi32, #tpu.memory_space<vmem>> -> memref<8192xi32, #tpu.memory_space<vmem>>
    %dma_start3A_29 = tpu.memref_slice %arg3[%add3A_23] : memref<1048576xi32, #tpu.memory_space<hbm>> -> memref<8192xi32, #tpu.memory_space<hbm>>
    tpu.enqueue_dma source(%dma_start3A_29 : memref<8192xi32, #tpu.memory_space<hbm>>) target(%dma_start3A_28 : memref<8192xi32, #tpu.memory_space<vmem>>) target_semaphore(%arg12 : memref<!tpu.dma_semaphore, #tpu.memory_space<semaphore_mem>>)
    %add3A_30 = arith.constant 8192 : i32
    %add3A_31 = arith.addi %mul3A_2, %add3A_30 : i32
    %dma_start3A_32 = arith.constant 8192 : i32
    %dma_start3A_33 = tpu.memref_slice %arg8[%dma_start3A_32] : memref<32784xi32, #tpu.memory_space<vmem>> -> memref<8192xi32, #tpu.memory_space<vmem>>
    %dma_start3A_34 = tpu.memref_slice %arg4[%add3A_31] : memref<1048576xi32, #tpu.memory_space<hbm>> -> memref<8192xi32, #tpu.memory_space<hbm>>
    %dma_start3A_35 = arith.constant 8192 : i32
    %dma_start3A_36 = tpu.memref_slice %arg8[%dma_start3A_35] : memref<32784xi32, #tpu.memory_space<vmem>> -> memref<8192xi32, #tpu.memory_space<vmem>>
    %dma_start3A_37 = tpu.memref_slice %arg4[%add3A_31] : memref<1048576xi32, #tpu.memory_space<hbm>> -> memref<8192xi32, #tpu.memory_space<hbm>>
    tpu.enqueue_dma source(%dma_start3A_37 : memref<8192xi32, #tpu.memory_space<hbm>>) target(%dma_start3A_36 : memref<8192xi32, #tpu.memory_space<vmem>>) target_semaphore(%arg16 : memref<!tpu.dma_semaphore, #tpu.memory_space<semaphore_mem>>)
    %add3A_38 = arith.constant 16384 : i32
    %add3A_39 = arith.addi %mul3A_2, %add3A_38 : i32
    %dma_start3A_40 = arith.constant 16384 : i32
    %dma_start3A_41 = tpu.memref_slice %arg7[%dma_start3A_40] : memref<32768xi32, #tpu.memory_space<vmem>> -> memref<8192xi32, #tpu.memory_space<vmem>>
    %dma_start3A_42 = tpu.memref_slice %arg3[%add3A_39] : memref<1048576xi32, #tpu.memory_space<hbm>> -> memref<8192xi32, #tpu.memory_space<hbm>>
    %dma_start3A_43 = arith.constant 16384 : i32
    %dma_start3A_44 = tpu.memref_slice %arg7[%dma_start3A_43] : memref<32768xi32, #tpu.memory_space<vmem>> -> memref<8192xi32, #tpu.memory_space<vmem>>
    %dma_start3A_45 = tpu.memref_slice %arg3[%add3A_39] : memref<1048576xi32, #tpu.memory_space<hbm>> -> memref<8192xi32, #tpu.memory_space<hbm>>
    tpu.enqueue_dma source(%dma_start3A_45 : memref<8192xi32, #tpu.memory_space<hbm>>) target(%dma_start3A_44 : memref<8192xi32, #tpu.memory_space<vmem>>) target_semaphore(%arg13 : memref<!tpu.dma_semaphore, #tpu.memory_space<semaphore_mem>>)
    %add3A_46 = arith.constant 16384 : i32
    %add3A_47 = arith.addi %mul3A_2, %add3A_46 : i32
    %dma_start3A_48 = arith.constant 16384 : i32
    %dma_start3A_49 = tpu.memref_slice %arg8[%dma_start3A_48] : memref<32784xi32, #tpu.memory_space<vmem>> -> memref<8192xi32, #tpu.memory_space<vmem>>
    %dma_start3A_50 = tpu.memref_slice %arg4[%add3A_47] : memref<1048576xi32, #tpu.memory_space<hbm>> -> memref<8192xi32, #tpu.memory_space<hbm>>
    %dma_start3A_51 = arith.constant 16384 : i32
    %dma_start3A_52 = tpu.memref_slice %arg8[%dma_start3A_51] : memref<32784xi32, #tpu.memory_space<vmem>> -> memref<8192xi32, #tpu.memory_space<vmem>>
    %dma_start3A_53 = tpu.memref_slice %arg4[%add3A_47] : memref<1048576xi32, #tpu.memory_space<hbm>> -> memref<8192xi32, #tpu.memory_space<hbm>>
    tpu.enqueue_dma source(%dma_start3A_53 : memref<8192xi32, #tpu.memory_space<hbm>>) target(%dma_start3A_52 : memref<8192xi32, #tpu.memory_space<vmem>>) target_semaphore(%arg17 : memref<!tpu.dma_semaphore, #tpu.memory_space<semaphore_mem>>)
    %add3A_54 = arith.constant 24576 : i32
    %add3A_55 = arith.addi %mul3A_2, %add3A_54 : i32
    %dma_start3A_56 = arith.constant 24576 : i32
    %dma_start3A_57 = tpu.memref_slice %arg7[%dma_start3A_56] : memref<32768xi32, #tpu.memory_space<vmem>> -> memref<8192xi32, #tpu.memory_space<vmem>>
    %dma_start3A_58 = tpu.memref_slice %arg3[%add3A_55] : memref<1048576xi32, #tpu.memory_space<hbm>> -> memref<8192xi32, #tpu.memory_space<hbm>>
    %dma_start3A_59 = arith.constant 24576 : i32
    %dma_start3A_60 = tpu.memref_slice %arg7[%dma_start3A_59] : memref<32768xi32, #tpu.memory_space<vmem>> -> memref<8192xi32, #tpu.memory_space<vmem>>
    %dma_start3A_61 = tpu.memref_slice %arg3[%add3A_55] : memref<1048576xi32, #tpu.memory_space<hbm>> -> memref<8192xi32, #tpu.memory_space<hbm>>
    tpu.enqueue_dma source(%dma_start3A_61 : memref<8192xi32, #tpu.memory_space<hbm>>) target(%dma_start3A_60 : memref<8192xi32, #tpu.memory_space<vmem>>) target_semaphore(%arg14 : memref<!tpu.dma_semaphore, #tpu.memory_space<semaphore_mem>>)
    %add3A_62 = arith.constant 24576 : i32
    %add3A_63 = arith.addi %mul3A_2, %add3A_62 : i32
    %dma_start3A_64 = arith.constant 24576 : i32
    %dma_start3A_65 = tpu.memref_slice %arg8[%dma_start3A_64] : memref<32784xi32, #tpu.memory_space<vmem>> -> memref<8192xi32, #tpu.memory_space<vmem>>
    %dma_start3A_66 = tpu.memref_slice %arg4[%add3A_63] : memref<1048576xi32, #tpu.memory_space<hbm>> -> memref<8192xi32, #tpu.memory_space<hbm>>
    %dma_start3A_67 = arith.constant 24576 : i32
    %dma_start3A_68 = tpu.memref_slice %arg8[%dma_start3A_67] : memref<32784xi32, #tpu.memory_space<vmem>> -> memref<8192xi32, #tpu.memory_space<vmem>>
    %dma_start3A_69 = tpu.memref_slice %arg4[%add3A_63] : memref<1048576xi32, #tpu.memory_space<hbm>> -> memref<8192xi32, #tpu.memory_space<hbm>>
    tpu.enqueue_dma source(%dma_start3A_69 : memref<8192xi32, #tpu.memory_space<hbm>>) target(%dma_start3A_68 : memref<8192xi32, #tpu.memory_space<vmem>>) target_semaphore(%arg18 : memref<!tpu.dma_semaphore, #tpu.memory_space<semaphore_mem>>)
    %broadcast_in_dim3A = arith.constant 0.000000e+00 : f32
    %broadcast_in_dim3A_70 = vector.broadcast %broadcast_in_dim3A : f32 to vector<16xf32>
    %parallel_loop3A = arith.constant 0 : i32
    %parallel_loop3A_71 = arith.constant 16384 : i32
    %parallel_loop3A_72 = arith.constant 16 : i32
    scf.for %parallel_loop3A_140 = %parallel_loop3A to %parallel_loop3A_71 step %parallel_loop3A_72  : i32 {
      %parallel_loop3A_141 = arith.index_cast %parallel_loop3A_140 : i32 to index
      %parallel_loop3A_142 = tpu.vector_load %arg9[%parallel_loop3A_141] {strides = array<i32>} : memref<16384xf32, #tpu.memory_space<vmem>>, vector<16xf32>,
      tpu.vector_store %arg9[%parallel_loop3A_141], %broadcast_in_dim3A_70 {strides = array<i32>} : memref<16384xf32, #tpu.memory_space<vmem>>, vector<16xf32>,
    } {sc.loop_unroll_factor = 8 : i64, sc.parallel_access}
    %iota3A = tpu.iota {dimensions = array<i32: 0>} : vector<16xi32>
    %eq3A = arith.constant 15 : i32
    %eq3A_73 = vector.broadcast %eq3A : i32 to vector<16xi32>
    %eq3A_74 = arith.cmpi eq, %iota3A, %eq3A_73 : vector<16xi32>
    %lt3A = arith.constant 15 : i32
    %lt3A_75 = vector.broadcast %lt3A : i32 to vector<16xi32>
    %lt3A_76 = arith.cmpi slt, %iota3A, %lt3A_75 : vector<16xi32>
    %dma_wait3A = arith.constant 0 : i32
    %dma_wait3A_77 = tpu.memref_slice %arg6[%dma_wait3A] : memref<128xf32, #tpu.memory_space<vmem>> -> memref<100xf32, #tpu.memory_space<vmem>>
    %dma_wait3A_78 = arith.constant 0 : i32
    %dma_wait3A_79 = tpu.memref_slice %arg6[%dma_wait3A_78] : memref<128xf32, #tpu.memory_space<vmem>> -> memref<100xf32, #tpu.memory_space<vmem>>
    tpu.wait_dma2 semaphore(%arg10 : memref<!tpu.dma_semaphore, #tpu.memory_space<semaphore_mem>>) src(%arg2 : memref<100xf32, #tpu.memory_space<hbm>>) dst(%dma_wait3A_79 : memref<100xf32, #tpu.memory_space<vmem>>)
    %dma_wait3A_80 = arith.constant 0 : i32
    %dma_wait3A_81 = tpu.memref_slice %arg7[%dma_wait3A_80] : memref<32768xi32, #tpu.memory_space<vmem>> -> memref<8192xi32, #tpu.memory_space<vmem>>
    %dma_wait3A_82 = tpu.memref_slice %arg3[%add3A_7] : memref<1048576xi32, #tpu.memory_space<hbm>> -> memref<8192xi32, #tpu.memory_space<hbm>>
    %dma_wait3A_83 = arith.constant 0 : i32
    %dma_wait3A_84 = tpu.memref_slice %arg7[%dma_wait3A_83] : memref<32768xi32, #tpu.memory_space<vmem>> -> memref<8192xi32, #tpu.memory_space<vmem>>
    %dma_wait3A_85 = tpu.memref_slice %arg3[%add3A_7] : memref<1048576xi32, #tpu.memory_space<hbm>> -> memref<8192xi32, #tpu.memory_space<hbm>>
    tpu.wait_dma2 semaphore(%arg11 : memref<!tpu.dma_semaphore, #tpu.memory_space<semaphore_mem>>) src(%dma_wait3A_85 : memref<8192xi32, #tpu.memory_space<hbm>>) dst(%dma_wait3A_84 : memref<8192xi32, #tpu.memory_space<vmem>>)
    %dma_wait3A_86 = arith.constant 0 : i32
    %dma_wait3A_87 = tpu.memref_slice %arg8[%dma_wait3A_86] : memref<32784xi32, #tpu.memory_space<vmem>> -> memref<8192xi32, #tpu.memory_space<vmem>>
    %dma_wait3A_88 = tpu.memref_slice %arg4[%add3A_15] : memref<1048576xi32, #tpu.memory_space<hbm>> -> memref<8192xi32, #tpu.memory_space<hbm>>
    %dma_wait3A_89 = arith.constant 0 : i32
    %dma_wait3A_90 = tpu.memref_slice %arg8[%dma_wait3A_89] : memref<32784xi32, #tpu.memory_space<vmem>> -> memref<8192xi32, #tpu.memory_space<vmem>>
    %dma_wait3A_91 = tpu.memref_slice %arg4[%add3A_15] : memref<1048576xi32, #tpu.memory_space<hbm>> -> memref<8192xi32, #tpu.memory_space<hbm>>
    tpu.wait_dma2 semaphore(%arg15 : memref<!tpu.dma_semaphore, #tpu.memory_space<semaphore_mem>>) src(%dma_wait3A_91 : memref<8192xi32, #tpu.memory_space<hbm>>) dst(%dma_wait3A_90 : memref<8192xi32, #tpu.memory_space<vmem>>)
    %parallel_loop3A_92 = arith.constant 0 : i32
    %parallel_loop3A_93 = arith.constant 8192 : i32
    %parallel_loop3A_94 = arith.constant 16 : i32
    scf.for %parallel_loop3A_140 = %parallel_loop3A_92 to %parallel_loop3A_93 step %parallel_loop3A_94  : i32 {
      %parallel_loop3A_141 = arith.index_cast %parallel_loop3A_140 : i32 to index
      %parallel_loop3A_142 = tpu.vector_load %arg7[%parallel_loop3A_141] {strides = array<i32>} : memref<32768xi32, #tpu.memory_space<vmem>>, vector<16xi32>,
      %parallel_loop3A_143 = arith.index_cast %parallel_loop3A_140 : i32 to index
      %parallel_loop3A_144 = tpu.vector_load %arg8[%parallel_loop3A_143] {strides = array<i32>} : memref<32784xi32, #tpu.memory_space<vmem>>, vector<16xi32>,
      %parallel_loop3A_145 = arith.constant 1 : i32
      %parallel_loop3A_146 = arith.addi %parallel_loop3A_140, %parallel_loop3A_145 : i32
      %parallel_loop3A_147 = arith.index_cast %parallel_loop3A_146 : i32 to index
      %parallel_loop3A_148 = tpu.vector_load %arg8[%parallel_loop3A_147] {strides = array<i32>} : memref<32784xi32, #tpu.memory_space<vmem>>, vector<16xi32>,
      %parallel_loop3A_149 = tpu.vector_load_idx %arg6[%parallel_loop3A_142] : memref<128xf32, #tpu.memory_space<vmem>>[vector<16xi32>], vector<16xf32>,
      %parallel_loop3A_150 = arith.constant true
      %parallel_loop3A_151 = vector.broadcast %parallel_loop3A_150 : i1 to vector<16xi1>
      %parallel_loop3A_152 = tpu.scan <sum>, %parallel_loop3A_149 masked %parallel_loop3A_151 : vector<16xf32>, vector<16xi1> -> vector<16xf32>
      %parallel_loop3A_153 = arith.cmpi ne, %parallel_loop3A_144, %parallel_loop3A_148 : vector<16xi32>
      %parallel_loop3A_154 = arith.andi %parallel_loop3A_153, %lt3A_76 : vector<16xi1>
      %parallel_loop3A_155 = arith.ori %parallel_loop3A_154, %eq3A_74 : vector<16xi1>
      tpu.vector_store_idx %arg9[%parallel_loop3A_144], %parallel_loop3A_152 masked %parallel_loop3A_155 {add = true} : memref<16384xf32, #tpu.memory_space<vmem>>[vector<16xi32>], vector<16xf32>, vector<16xi1>
      %parallel_loop3A_156 = arith.constant 0 : i32
      %parallel_loop3A_157 = vector.broadcast %parallel_loop3A_156 : i32 to vector<16xi32>
      %parallel_loop3A_158 = arith.select %parallel_loop3A_154, %parallel_loop3A_148, %parallel_loop3A_157 : vector<16xi1>, vector<16xi32>
      %parallel_loop3A_159 = arith.constant 0.000000e+00 : f32
      %parallel_loop3A_160 = vector.broadcast %parallel_loop3A_159 : f32 to vector<16xf32>
      %parallel_loop3A_161 = arith.subf %parallel_loop3A_160, %parallel_loop3A_152 : vector<16xf32>
      tpu.vector_store_idx %arg9[%parallel_loop3A_158], %parallel_loop3A_161 masked %parallel_loop3A_154 {add = true} : memref<16384xf32, #tpu.memory_space<vmem>>[vector<16xi32>], vector<16xf32>, vector<16xi1>
    } {sc.loop_unroll_factor = 16 : i64, sc.parallel_access}
    %dma_wait3A_95 = arith.constant 8192 : i32
    %dma_wait3A_96 = tpu.memref_slice %arg7[%dma_wait3A_95] : memref<32768xi32, #tpu.memory_space<vmem>> -> memref<8192xi32, #tpu.memory_space<vmem>>
    %dma_wait3A_97 = tpu.memref_slice %arg3[%add3A_23] : memref<1048576xi32, #tpu.memory_space<hbm>> -> memref<8192xi32, #tpu.memory_space<hbm>>
    %dma_wait3A_98 = arith.constant 8192 : i32
    %dma_wait3A_99 = tpu.memref_slice %arg7[%dma_wait3A_98] : memref<32768xi32, #tpu.memory_space<vmem>> -> memref<8192xi32, #tpu.memory_space<vmem>>
    %dma_wait3A_100 = tpu.memref_slice %arg3[%add3A_23] : memref<1048576xi32, #tpu.memory_space<hbm>> -> memref<8192xi32, #tpu.memory_space<hbm>>
    tpu.wait_dma2 semaphore(%arg12 : memref<!tpu.dma_semaphore, #tpu.memory_space<semaphore_mem>>) src(%dma_wait3A_100 : memref<8192xi32, #tpu.memory_space<hbm>>) dst(%dma_wait3A_99 : memref<8192xi32, #tpu.memory_space<vmem>>)
    %dma_wait3A_101 = arith.constant 8192 : i32
    %dma_wait3A_102 = tpu.memref_slice %arg8[%dma_wait3A_101] : memref<32784xi32, #tpu.memory_space<vmem>> -> memref<8192xi32, #tpu.memory_space<vmem>>
    %dma_wait3A_103 = tpu.memref_slice %arg4[%add3A_31] : memref<1048576xi32, #tpu.memory_space<hbm>> -> memref<8192xi32, #tpu.memory_space<hbm>>
    %dma_wait3A_104 = arith.constant 8192 : i32
    %dma_wait3A_105 = tpu.memref_slice %arg8[%dma_wait3A_104] : memref<32784xi32, #tpu.memory_space<vmem>> -> memref<8192xi32, #tpu.memory_space<vmem>>
    %dma_wait3A_106 = tpu.memref_slice %arg4[%add3A_31] : memref<1048576xi32, #tpu.memory_space<hbm>> -> memref<8192xi32, #tpu.memory_space<hbm>>
    tpu.wait_dma2 semaphore(%arg16 : memref<!tpu.dma_semaphore, #tpu.memory_space<semaphore_mem>>) src(%dma_wait3A_106 : memref<8192xi32, #tpu.memory_space<hbm>>) dst(%dma_wait3A_105 : memref<8192xi32, #tpu.memory_space<vmem>>)
    %parallel_loop3A_107 = arith.constant 8192 : i32
    %parallel_loop3A_108 = arith.constant 16384 : i32
    %parallel_loop3A_109 = arith.constant 16 : i32
    scf.for %parallel_loop3A_140 = %parallel_loop3A_107 to %parallel_loop3A_108 step %parallel_loop3A_109  : i32 {
      %parallel_loop3A_141 = arith.index_cast %parallel_loop3A_140 : i32 to index
      %parallel_loop3A_142 = tpu.vector_load %arg7[%parallel_loop3A_141] {strides = array<i32>} : memref<32768xi32, #tpu.memory_space<vmem>>, vector<16xi32>,
      %parallel_loop3A_143 = arith.index_cast %parallel_loop3A_140 : i32 to index
      %parallel_loop3A_144 = tpu.vector_load %arg8[%parallel_loop3A_143] {strides = array<i32>} : memref<32784xi32, #tpu.memory_space<vmem>>, vector<16xi32>,
      %parallel_loop3A_145 = arith.constant 1 : i32
      %parallel_loop3A_146 = arith.addi %parallel_loop3A_140, %parallel_loop3A_145 : i32
      %parallel_loop3A_147 = arith.index_cast %parallel_loop3A_146 : i32 to index
      %parallel_loop3A_148 = tpu.vector_load %arg8[%parallel_loop3A_147] {strides = array<i32>} : memref<32784xi32, #tpu.memory_space<vmem>>, vector<16xi32>,
      %parallel_loop3A_149 = tpu.vector_load_idx %arg6[%parallel_loop3A_142] : memref<128xf32, #tpu.memory_space<vmem>>[vector<16xi32>], vector<16xf32>,
      %parallel_loop3A_150 = arith.constant true
      %parallel_loop3A_151 = vector.broadcast %parallel_loop3A_150 : i1 to vector<16xi1>
      %parallel_loop3A_152 = tpu.scan <sum>, %parallel_loop3A_149 masked %parallel_loop3A_151 : vector<16xf32>, vector<16xi1> -> vector<16xf32>
      %parallel_loop3A_153 = arith.cmpi ne, %parallel_loop3A_144, %parallel_loop3A_148 : vector<16xi32>
      %parallel_loop3A_154 = arith.andi %parallel_loop3A_153, %lt3A_76 : vector<16xi1>
      %parallel_loop3A_155 = arith.ori %parallel_loop3A_154, %eq3A_74 : vector<16xi1>
      tpu.vector_store_idx %arg9[%parallel_loop3A_144], %parallel_loop3A_152 masked %parallel_loop3A_155 {add = true} : memref<16384xf32, #tpu.memory_space<vmem>>[vector<16xi32>], vector<16xf32>, vector<16xi1>
      %parallel_loop3A_156 = arith.constant 0 : i32
      %parallel_loop3A_157 = vector.broadcast %parallel_loop3A_156 : i32 to vector<16xi32>
      %parallel_loop3A_158 = arith.select %parallel_loop3A_154, %parallel_loop3A_148, %parallel_loop3A_157 : vector<16xi1>, vector<16xi32>
      %parallel_loop3A_159 = arith.constant 0.000000e+00 : f32
      %parallel_loop3A_160 = vector.broadcast %parallel_loop3A_159 : f32 to vector<16xf32>
      %parallel_loop3A_161 = arith.subf %parallel_loop3A_160, %parallel_loop3A_152 : vector<16xf32>
      tpu.vector_store_idx %arg9[%parallel_loop3A_158], %parallel_loop3A_161 masked %parallel_loop3A_154 {add = true} : memref<16384xf32, #tpu.memory_space<vmem>>[vector<16xi32>], vector<16xf32>, vector<16xi1>
    } {sc.loop_unroll_factor = 16 : i64, sc.parallel_access}
    %dma_wait3A_110 = arith.constant 16384 : i32
    %dma_wait3A_111 = tpu.memref_slice %arg7[%dma_wait3A_110] : memref<32768xi32, #tpu.memory_space<vmem>> -> memref<8192xi32, #tpu.memory_space<vmem>>
    %dma_wait3A_112 = tpu.memref_slice %arg3[%add3A_39] : memref<1048576xi32, #tpu.memory_space<hbm>> -> memref<8192xi32, #tpu.memory_space<hbm>>
    %dma_wait3A_113 = arith.constant 16384 : i32
    %dma_wait3A_114 = tpu.memref_slice %arg7[%dma_wait3A_113] : memref<32768xi32, #tpu.memory_space<vmem>> -> memref<8192xi32, #tpu.memory_space<vmem>>
    %dma_wait3A_115 = tpu.memref_slice %arg3[%add3A_39] : memref<1048576xi32, #tpu.memory_space<hbm>> -> memref<8192xi32, #tpu.memory_space<hbm>>
    tpu.wait_dma2 semaphore(%arg13 : memref<!tpu.dma_semaphore, #tpu.memory_space<semaphore_mem>>) src(%dma_wait3A_115 : memref<8192xi32, #tpu.memory_space<hbm>>) dst(%dma_wait3A_114 : memref<8192xi32, #tpu.memory_space<vmem>>)
    %dma_wait3A_116 = arith.constant 16384 : i32
    %dma_wait3A_117 = tpu.memref_slice %arg8[%dma_wait3A_116] : memref<32784xi32, #tpu.memory_space<vmem>> -> memref<8192xi32, #tpu.memory_space<vmem>>
    %dma_wait3A_118 = tpu.memref_slice %arg4[%add3A_47] : memref<1048576xi32, #tpu.memory_space<hbm>> -> memref<8192xi32, #tpu.memory_space<hbm>>
    %dma_wait3A_119 = arith.constant 16384 : i32
    %dma_wait3A_120 = tpu.memref_slice %arg8[%dma_wait3A_119] : memref<32784xi32, #tpu.memory_space<vmem>> -> memref<8192xi32, #tpu.memory_space<vmem>>
    %dma_wait3A_121 = tpu.memref_slice %arg4[%add3A_47] : memref<1048576xi32, #tpu.memory_space<hbm>> -> memref<8192xi32, #tpu.memory_space<hbm>>
    tpu.wait_dma2 semaphore(%arg17 : memref<!tpu.dma_semaphore, #tpu.memory_space<semaphore_mem>>) src(%dma_wait3A_121 : memref<8192xi32, #tpu.memory_space<hbm>>) dst(%dma_wait3A_120 : memref<8192xi32, #tpu.memory_space<vmem>>)
    %parallel_loop3A_122 = arith.constant 16384 : i32
    %parallel_loop3A_123 = arith.constant 24576 : i32
    %parallel_loop3A_124 = arith.constant 16 : i32
    scf.for %parallel_loop3A_140 = %parallel_loop3A_122 to %parallel_loop3A_123 step %parallel_loop3A_124  : i32 {
      %parallel_loop3A_141 = arith.index_cast %parallel_loop3A_140 : i32 to index
      %parallel_loop3A_142 = tpu.vector_load %arg7[%parallel_loop3A_141] {strides = array<i32>} : memref<32768xi32, #tpu.memory_space<vmem>>, vector<16xi32>,
      %parallel_loop3A_143 = arith.index_cast %parallel_loop3A_140 : i32 to index
      %parallel_loop3A_144 = tpu.vector_load %arg8[%parallel_loop3A_143] {strides = array<i32>} : memref<32784xi32, #tpu.memory_space<vmem>>, vector<16xi32>,
      %parallel_loop3A_145 = arith.constant 1 : i32
      %parallel_loop3A_146 = arith.addi %parallel_loop3A_140, %parallel_loop3A_145 : i32
      %parallel_loop3A_147 = arith.index_cast %parallel_loop3A_146 : i32 to index
      %parallel_loop3A_148 = tpu.vector_load %arg8[%parallel_loop3A_147] {strides = array<i32>} : memref<32784xi32, #tpu.memory_space<vmem>>, vector<16xi32>,
      %parallel_loop3A_149 = tpu.vector_load_idx %arg6[%parallel_loop3A_142] : memref<128xf32, #tpu.memory_space<vmem>>[vector<16xi32>], vector<16xf32>,
      %parallel_loop3A_150 = arith.constant true
      %parallel_loop3A_151 = vector.broadcast %parallel_loop3A_150 : i1 to vector<16xi1>
      %parallel_loop3A_152 = tpu.scan <sum>, %parallel_loop3A_149 masked %parallel_loop3A_151 : vector<16xf32>, vector<16xi1> -> vector<16xf32>
      %parallel_loop3A_153 = arith.cmpi ne, %parallel_loop3A_144, %parallel_loop3A_148 : vector<16xi32>
      %parallel_loop3A_154 = arith.andi %parallel_loop3A_153, %lt3A_76 : vector<16xi1>
      %parallel_loop3A_155 = arith.ori %parallel_loop3A_154, %eq3A_74 : vector<16xi1>
      tpu.vector_store_idx %arg9[%parallel_loop3A_144], %parallel_loop3A_152 masked %parallel_loop3A_155 {add = true} : memref<16384xf32, #tpu.memory_space<vmem>>[vector<16xi32>], vector<16xf32>, vector<16xi1>
      %parallel_loop3A_156 = arith.constant 0 : i32
      %parallel_loop3A_157 = vector.broadcast %parallel_loop3A_156 : i32 to vector<16xi32>
      %parallel_loop3A_158 = arith.select %parallel_loop3A_154, %parallel_loop3A_148, %parallel_loop3A_157 : vector<16xi1>, vector<16xi32>
      %parallel_loop3A_159 = arith.constant 0.000000e+00 : f32
      %parallel_loop3A_160 = vector.broadcast %parallel_loop3A_159 : f32 to vector<16xf32>
      %parallel_loop3A_161 = arith.subf %parallel_loop3A_160, %parallel_loop3A_152 : vector<16xf32>
      tpu.vector_store_idx %arg9[%parallel_loop3A_158], %parallel_loop3A_161 masked %parallel_loop3A_154 {add = true} : memref<16384xf32, #tpu.memory_space<vmem>>[vector<16xi32>], vector<16xf32>, vector<16xi1>
    } {sc.loop_unroll_factor = 16 : i64, sc.parallel_access}
    %dma_wait3A_125 = arith.constant 24576 : i32
    %dma_wait3A_126 = tpu.memref_slice %arg7[%dma_wait3A_125] : memref<32768xi32, #tpu.memory_space<vmem>> -> memref<8192xi32, #tpu.memory_space<vmem>>
    %dma_wait3A_127 = tpu.memref_slice %arg3[%add3A_55] : memref<1048576xi32, #tpu.memory_space<hbm>> -> memref<8192xi32, #tpu.memory_space<hbm>>
    %dma_wait3A_128 = arith.constant 24576 : i32
    %dma_wait3A_129 = tpu.memref_slice %arg7[%dma_wait3A_128] : memref<32768xi32, #tpu.memory_space<vmem>> -> memref<8192xi32, #tpu.memory_space<vmem>>
    %dma_wait3A_130 = tpu.memref_slice %arg3[%add3A_55] : memref<1048576xi32, #tpu.memory_space<hbm>> -> memref<8192xi32, #tpu.memory_space<hbm>>
    tpu.wait_dma2 semaphore(%arg14 : memref<!tpu.dma_semaphore, #tpu.memory_space<semaphore_mem>>) src(%dma_wait3A_130 : memref<8192xi32, #tpu.memory_space<hbm>>) dst(%dma_wait3A_129 : memref<8192xi32, #tpu.memory_space<vmem>>)
    %dma_wait3A_131 = arith.constant 24576 : i32
    %dma_wait3A_132 = tpu.memref_slice %arg8[%dma_wait3A_131] : memref<32784xi32, #tpu.memory_space<vmem>> -> memref<8192xi32, #tpu.memory_space<vmem>>
    %dma_wait3A_133 = tpu.memref_slice %arg4[%add3A_63] : memref<1048576xi32, #tpu.memory_space<hbm>> -> memref<8192xi32, #tpu.memory_space<hbm>>
    %dma_wait3A_134 = arith.constant 24576 : i32
    %dma_wait3A_135 = tpu.memref_slice %arg8[%dma_wait3A_134] : memref<32784xi32, #tpu.memory_space<vmem>> -> memref<8192xi32, #tpu.memory_space<vmem>>
    %dma_wait3A_136 = tpu.memref_slice %arg4[%add3A_63] : memref<1048576xi32, #tpu.memory_space<hbm>> -> memref<8192xi32, #tpu.memory_space<hbm>>
    tpu.wait_dma2 semaphore(%arg18 : memref<!tpu.dma_semaphore, #tpu.memory_space<semaphore_mem>>) src(%dma_wait3A_136 : memref<8192xi32, #tpu.memory_space<hbm>>) dst(%dma_wait3A_135 : memref<8192xi32, #tpu.memory_space<vmem>>)
    %parallel_loop3A_137 = arith.constant 24576 : i32
    %parallel_loop3A_138 = arith.constant 32768 : i32
    %parallel_loop3A_139 = arith.constant 16 : i32
    scf.for %parallel_loop3A_140 = %parallel_loop3A_137 to %parallel_loop3A_138 step %parallel_loop3A_139  : i32 {
      %parallel_loop3A_141 = arith.index_cast %parallel_loop3A_140 : i32 to index
      %parallel_loop3A_142 = tpu.vector_load %arg7[%parallel_loop3A_141] {strides = array<i32>} : memref<32768xi32, #tpu.memory_space<vmem>>, vector<16xi32>,
      %parallel_loop3A_143 = arith.index_cast %parallel_loop3A_140 : i32 to index
      %parallel_loop3A_144 = tpu.vector_load %arg8[%parallel_loop3A_143] {strides = array<i32>} : memref<32784xi32, #tpu.memory_space<vmem>>, vector<16xi32>,
      %parallel_loop3A_145 = arith.constant 1 : i32
      %parallel_loop3A_146 = arith.addi %parallel_loop3A_140, %parallel_loop3A_145 : i32
      %parallel_loop3A_147 = arith.index_cast %parallel_loop3A_146 : i32 to index
      %parallel_loop3A_148 = tpu.vector_load %arg8[%parallel_loop3A_147] {strides = array<i32>} : memref<32784xi32, #tpu.memory_space<vmem>>, vector<16xi32>,
      %parallel_loop3A_149 = tpu.vector_load_idx %arg6[%parallel_loop3A_142] : memref<128xf32, #tpu.memory_space<vmem>>[vector<16xi32>], vector<16xf32>,
      %parallel_loop3A_150 = arith.constant true
      %parallel_loop3A_151 = vector.broadcast %parallel_loop3A_150 : i1 to vector<16xi1>
      %parallel_loop3A_152 = tpu.scan <sum>, %parallel_loop3A_149 masked %parallel_loop3A_151 : vector<16xf32>, vector<16xi1> -> vector<16xf32>
      %parallel_loop3A_153 = arith.cmpi ne, %parallel_loop3A_144, %parallel_loop3A_148 : vector<16xi32>
      %parallel_loop3A_154 = arith.andi %parallel_loop3A_153, %lt3A_76 : vector<16xi1>
      %parallel_loop3A_155 = arith.ori %parallel_loop3A_154, %eq3A_74 : vector<16xi1>
      tpu.vector_store_idx %arg9[%parallel_loop3A_144], %parallel_loop3A_152 masked %parallel_loop3A_155 {add = true} : memref<16384xf32, #tpu.memory_space<vmem>>[vector<16xi32>], vector<16xf32>, vector<16xi1>
      %parallel_loop3A_156 = arith.constant 0 : i32
      %parallel_loop3A_157 = vector.broadcast %parallel_loop3A_156 : i32 to vector<16xi32>
      %parallel_loop3A_158 = arith.select %parallel_loop3A_154, %parallel_loop3A_148, %parallel_loop3A_157 : vector<16xi1>, vector<16xi32>
      %parallel_loop3A_159 = arith.constant 0.000000e+00 : f32
      %parallel_loop3A_160 = vector.broadcast %parallel_loop3A_159 : f32 to vector<16xf32>
      %parallel_loop3A_161 = arith.subf %parallel_loop3A_160, %parallel_loop3A_152 : vector<16xf32>
      tpu.vector_store_idx %arg9[%parallel_loop3A_158], %parallel_loop3A_161 masked %parallel_loop3A_154 {add = true} : memref<16384xf32, #tpu.memory_space<vmem>>[vector<16xi32>], vector<16xf32>, vector<16xi1>
    } {sc.loop_unroll_factor = 16 : i64, sc.parallel_access}
    "tpu.region"() ({
      %run_scoped3A = tpu.sem_alloc : memref<!tpu.dma_semaphore, #tpu.memory_space<semaphore_mem>>
      %dma_start3A_140 = arith.constant 0 : i32
      %dma_start3A_141 = tpu.memref_slice %arg5[%add3A, %dma_start3A_140] : memref<32x16384xf32, #tpu.memory_space<hbm>> -> memref<1x16384xf32, #tpu.memory_space<hbm>>
      %dma_start3A_142 = tpu.memref_squeeze %dma_start3A_141 : memref<1x16384xf32, #tpu.memory_space<hbm>> -> memref<16384xf32, #tpu.memory_space<hbm>>
      %dma_start3A_143 = arith.constant 0 : i32
      %dma_start3A_144 = tpu.memref_slice %arg5[%add3A, %dma_start3A_143] : memref<32x16384xf32, #tpu.memory_space<hbm>> -> memref<1x16384xf32, #tpu.memory_space<hbm>>
      %dma_start3A_145 = tpu.memref_squeeze %dma_start3A_144 : memref<1x16384xf32, #tpu.memory_space<hbm>> -> memref<16384xf32, #tpu.memory_space<hbm>>
      tpu.enqueue_dma source(%arg9 : memref<16384xf32, #tpu.memory_space<vmem>>) target(%dma_start3A_145 : memref<16384xf32, #tpu.memory_space<hbm>>) target_semaphore(%run_scoped3A : memref<!tpu.dma_semaphore, #tpu.memory_space<semaphore_mem>>)
      %dma_wait3A_146 = arith.constant 0 : i32
      %dma_wait3A_147 = tpu.memref_slice %arg5[%add3A, %dma_wait3A_146] : memref<32x16384xf32, #tpu.memory_space<hbm>> -> memref<1x16384xf32, #tpu.memory_space<hbm>>
      %dma_wait3A_148 = tpu.memref_squeeze %dma_wait3A_147 : memref<1x16384xf32, #tpu.memory_space<hbm>> -> memref<16384xf32, #tpu.memory_space<hbm>>
      %dma_wait3A_149 = arith.constant 0 : i32
      %dma_wait3A_150 = tpu.memref_slice %arg5[%add3A, %dma_wait3A_149] : memref<32x16384xf32, #tpu.memory_space<hbm>> -> memref<1x16384xf32, #tpu.memory_space<hbm>>
      %dma_wait3A_151 = tpu.memref_squeeze %dma_wait3A_150 : memref<1x16384xf32, #tpu.memory_space<hbm>> -> memref<16384xf32, #tpu.memory_space<hbm>>
      tpu.wait_dma2 semaphore(%run_scoped3A : memref<!tpu.dma_semaphore, #tpu.memory_space<semaphore_mem>>) src(%arg9 : memref<16384xf32, #tpu.memory_space<vmem>>) dst(%dma_wait3A_151 : memref<16384xf32, #tpu.memory_space<hbm>>)
      tpu.yield
    }) : () -> ()
    return
  }
}

module attributes {stable_mosaic.version = 14 : i64} {
  func.func @_reduce_body(%arg0: memref<32x16384xf32, #tpu.memory_space<vmem>>, %arg1: memref<1x16384xf32, #tpu.memory_space<vmem>>) attributes {dimension_semantics = [], scalar_prefetch = 0 : i64, scratch_operands = 0 : i64, tpu.core_type = #tpu.core_type<tc>} {
    %get3A = arith.constant 0 : index
    %get3A_0 = arith.constant 0 : index
    %get3A_1 = vector.load %arg0[%get3A, %get3A_0] : memref<32x16384xf32, #tpu.memory_space<vmem>>, vector<32x16384xf32>
    %reduce_sum3A = arith.constant dense<0.000000e+00> : vector<16384xf32>
    %reduce_sum3A_2 = vector.multi_reduction <add>, %get3A_1, %reduce_sum3A [0] : vector<32x16384xf32> to vector<16384xf32>
    %broadcast_in_dim3A = vector.shape_cast %reduce_sum3A_2 : vector<16384xf32> to vector<1x16384xf32>
    %swap3A = arith.constant 0 : index
    %swap3A_3 = arith.constant 0 : index
    %swap3A_4 = vector.load %arg1[%swap3A, %swap3A_3] : memref<1x16384xf32, #tpu.memory_space<vmem>>, vector<1x16384xf32>
    tpu.vector_store %arg1[%swap3A, %swap3A_3], %broadcast_in_dim3A {strides = array<i32>} : memref<1x16384xf32, #tpu.memory_space<vmem>>, vector<1x16384xf32>,
    return
  }
}

</mosaic_0001>

<sc_bundles>
// kernel: kernel.4.cloned.1.call-start
scs
__scs_entry_jumppad:
0x0: {  	(pc) =	sbr.rel $0x88, $3  }
0x1: {  	(tag) =	ssettag $0x0;
	lr =	simm.s32 $0x1  }
0x2: {  	[smem:$0x3F9E] =	sst lr;
	_ =	strace $0xD0000000  }
0x3: {  	_ = 	snop  }
0x4: {  	_ = 	snop  }
0x5: {  	_ = 	snop  }
0x6: {  	_ = 	snop  }
0x7: {  	_ = 	snop  }
__scs_overlays_trampoline_lowered:
0x8: {  	[smem:$0x3FAD] =	sst s0  }
0x9: {  	[smem:$0x3FAE] =	sst s1  }
0xa: {  	[smem:$0x3FAF] =	sst s2  }
0xb: {  	[smem:$0x3FB0] =	sst s3  }
0xc: {  	[smem:$0x3FB1] =	sst s4  }
0xd: {  	[smem:$0x3FB2] =	sst s5  }
0xe: {  	[smem:$0x3FB3] =	sst s6  }
0xf: {  	[smem:$0x3FB4] =	sst s7  }
0x10: {  	[smem:$0x3FB5] =	sst s8  }
0x11: {  	[smem:$0x3FB6] =	sst s9;
	s0 =	simm.s32 @!p0 $0x0  }
0x12: {  	s1 =	sld [smem:$0x3F9C];
	s0 =	simm.s32 @p0 $0x1  }
0x13: {  	[smem:$0x3FB7] =	sst s0;
	s0 =	simm.s32 @!p1 $0x0  }
0x14: {  	s2 =	sld [smem:$0x3F9B];
	s0 =	simm.s32 @p1 $0x1  }
0x15: {  	[smem:$0x3FB8] =	sst s0;
	s0 =	simm.s32 @!p2 $0x0  }
0x16: {  	s3 =	sld [smem:$0x3FDB];
	s0 =	simm.s32 @p2 $0x1  }
0x17: {  	s4 =	simm.s32 $0x1BF5;
	[smem:$0x3FBA] =	sst s0  }
0x18: {  	s0 =	sld [smem:$0x3F9D];
	_ =	swait.ge [sflag:s4], $0x0  }
0x19: {  	s7 =	sld [smem:$0x3F9E]  }
0x1a: {  	s8 =	sadd.s32 $0xFFFFE003, lr  }
0x1b: {  	s9 =	sadd.s32 $0xFFFFFEF7, lr;
	s5 =	simm.s32 $0xFFFFFFFF;
	p2 =	slt.u32 s8, $0xFFFFF086  }
0x1c: {  	p1 =	slt.u32 s9, $0xF7A;
	s5 =	simm.s32 @!p2 $0x0  }
0x1d: {  	s5 =	simm.s32 @p1 $0x1;
	p0 =	seq.s32 s7, s2  }
0x1e: {  	s7 =	smul.u32 @!p0 $0xF7A, s2;
	p2 =	seq.s32 @!p0 s5, $0x0  }
0x1f: {  	s9 =	smul.u32 $0xF7A, s1;
	s8 =	simm.s32 @!p0 $0x1BF5;
	p2 =	por !p2, p0  }
0x20: {  	[sflag:s8] =	ssyncset.s32 @!p0 $0xFFFFF086;
	s6 =	sadd.s32 @!p0 s3, s7;
	s7 =	simm.s32 @!p0 $0x108  }
0x21: {  	s3 =	sadd.s32 s3, s9;
	s6 =	sadd.s32 @!p0 $0x88, s6;
	s7 =	simm.s32 @p2 $0x1082  }
0x22: {  	[simem:s7], [sflag:s8] =	dma.local @!p0 [hbm:s6], $0xF7A  }
0x23: {  	s9 =	sor.u32 $0xD0000000, s2;
	s6 =	simm.s32 $0x108;
	_ =	swait.ge @!p0 [sflag:s8], $0x0  }
0x24: {  	s3 =	sadd.s32 $0x88, s3;
	s6 =	simm.s32 @!p1 $0x1082;
	[sflag:s4] =	ssyncset.s32 $0xFFFFF086  }
0x25: {  	[simem:s6], [sflag:s4] =	dma.local [hbm:s3], $0xF7A  }
0x26: {  	[smem:$0x3F9E] =	sst s1;
	(tag) =	ssettag s2;
	_ =	strace s9  }
0x27: {  	s1 =	sld [smem:$0x3FAE]  }
0x28: {  	s2 =	sld [smem:$0x3FAF]  }
0x29: {  	s4 =	sld [smem:$0x3FB1]  }
0x2a: {  	p0 =	seq.s32 s5, $0x0;
	s5 =	sld [smem:$0x3FB2]  }
0x2b: {  	s6 =	sld [smem:$0x3FB3]  }
0x2c: {  	s7 =	sld [smem:$0x3FB4]  }
0x2d: {  	s3 =	simm.s32 $0x108;
	s8 =	sld [smem:$0x3FB5]  }
0x2e: {  	s3 =	simm.s32 @!p0 $0x1082;
	s9 =	sld [smem:$0x3FB6]  }
0x2f: {  	lr =	sadd.s32 s0, s3;
	s0 =	sld [smem:$0x3FAD]  }
0x30: {  	s3 =	sld [smem:$0x3FB0]  }
0x31: {  	[smem:$0x3FB9] =	sst s10  }
0x32: {  	s10 =	sld [smem:$0x3FB7];
	_ =	sdelay $0x3  }
0x33: {  	p0 =	seq.s32 s10, $0x1;
	s10 =	sld [smem:$0x3FB9];
	_ =	sdelay $0x3  }
0x34: {  	[smem:$0x3FB9] =	sst s10  }
0x35: {  	s10 =	sld [smem:$0x3FB8];
	_ =	sdelay $0x3  }
0x36: {  	p1 =	seq.s32 s10, $0x1;
	s10 =	sld [smem:$0x3FB9];
	_ =	sdelay $0x3  }
0x37: {  	[smem:$0x3FB9] =	sst s10  }
0x38: {  	s10 =	sld [smem:$0x3FBA]  }
0x39: {  	_ = 	snop;
	(pc) =	sbr.ind lr, $3  }
0x3a: {  	_ = 	snop  }
0x3b: {  	_ = 	snop  }
0x3c: {  	p2 =	seq.s32 s10, $0x1;
	s10 =	sld [smem:$0x3FB9]  }
0x3d: {  	_ =	shalt  }
0x3e: {  	_ =	shalt  }
0x3f: {  	_ =	shalt  }
0x40: {  	_ =	shalt  }
0x41: {  	_ =	shalt  }
0x42: {  	_ =	shalt  }
0x43: {  	_ =	shalt  }
0x44: {  	_ =	shalt  }
0x45: {  	_ =	shalt  }
0x46: {  	_ =	shalt  }
0x47: {  	_ =	shalt  }
0x48: {  	_ =	shalt  }
0x49: {  	_ =	shalt  }
0x4a: {  	_ =	shalt  }
0x4b: {  	_ =	shalt  }
0x4c: {  	_ =	shalt  }
0x4d: {  	_ =	shalt  }
0x4e: {  	_ =	shalt  }
0x4f: {  	_ =	shalt  }
0x50: {  	_ =	shalt  }
0x51: {  	_ =	shalt  }
0x52: {  	_ =	shalt  }
0x53: {  	_ =	shalt  }
0x54: {  	_ =	shalt  }
0x55: {  	_ =	shalt  }
0x56: {  	_ =	shalt  }
0x57: {  	_ =	shalt  }
0x58: {  	_ =	shalt  }
0x59: {  	_ =	shalt  }
0x5a: {  	_ =	shalt  }
0x5b: {  	_ =	shalt  }
0x5c: {  	_ =	shalt  }
0x5d: {  	_ =	shalt  }
0x5e: {  	_ =	shalt  }
0x5f: {  	_ =	shalt  }
0x60: {  	_ =	shalt  }
0x61: {  	_ =	shalt  }
0x62: {  	_ =	shalt  }
0x63: {  	_ =	shalt  }
0x64: {  	_ =	shalt  }
0x65: {  	_ =	shalt  }
0x66: {  	_ =	shalt  }
0x67: {  	_ =	shalt  }
0x68: {  	_ =	shalt  }
0x69: {  	_ =	shalt  }
0x6a: {  	_ =	shalt  }
0x6b: {  	_ =	shalt  }
0x6c: {  	_ =	shalt  }
0x6d: {  	_ =	shalt  }
0x6e: {  	_ =	shalt  }
0x6f: {  	_ =	shalt  }
0x70: {  	_ =	shalt  }
0x71: {  	_ =	shalt  }
0x72: {  	_ =	shalt  }
0x73: {  	_ =	shalt  }
0x74: {  	_ =	shalt  }
0x75: {  	_ =	shalt  }
0x76: {  	_ =	shalt  }
0x77: {  	_ =	shalt  }
0x78: {  	_ =	shalt  }
0x79: {  	_ =	shalt  }
0x7a: {  	_ =	shalt  }
0x7b: {  	_ =	shalt  }
0x7c: {  	_ =	shalt  }
0x7d: {  	_ =	shalt  }
0x7e: {  	_ =	shalt  }
0x7f: {  	_ =	shalt  }
0x80: {  	_ =	shalt  }
0x81: {  	_ =	shalt  }
0x82: {  	_ =	shalt  }
0x83: {  	_ =	shalt  }
0x84: {  	_ =	shalt  }
0x85: {  	_ =	shalt  }
0x86: {  	_ =	shalt  }
0x87: {  	_ =	shalt  }
.Lfunc_end0:
.L_simem_size_0:
called_computation_lowered:
.L_overlay_start_0:
0x88: {  	s2 =	sld [smem:$0x3FD9]  }
0x89: {  	s3 =	sld [smem:$0x3FFE];
	_ =	sdelay $0x1  }
0x8a: {  	s1 =	srdreg.scid  }
0x8b: {  	s0 =	sand.u32 $0x1, s1  }
0x8c: {  	s17 =	sshll.u32 s0, $0xA;
	s2 =	sadd.s32 s3, s2  }
0x8d: {  	s2 =	sadd.s32 s2, s17  }
0x8e: {  	[smem:$0x3FC5] =	sst s2  }
0x8f: {  	_ = 	snop  }
0x90: {  	s2 =	sld [smem:$0x3FC9]  }
0x91: {  	s18 =	sld [smem:$0x3FC8]  }
0x92: {  	s4 =	sld [smem:$0x3FC7];
	(tm) =	ssettm $0x1  }
0x93: {  	s5 =	sld [smem:$0x3FFB];
	_ =	sdelay $0x3  }
0x94: {  	_ =	strace s5  }
0x95: {  	s5 =	sld [smem:$0x3FFC];
	_ =	sdelay $0x3  }
0x96: {  	_ =	strace s5  }
0x97: {  	s5 =	sld [smem:$0x3FFD];
	_ =	sdelay $0x3  }
0x98: {  	_ =	strace s5  }
0x99: {  	_ =	strace $0x8FFFFFFF  }
0x9a: {  	s19 =	sld [smem:$0x3FDB];
	_ =	sdelay $0x1  }
0x9b: {  	s6 =	simm.s32 $_scs_section_size  }
0x9c: {  	s7 =	simm.s32 $_size__tile_overlayer_lowered;
	s8 =	simm.s32 $_tile_overlayer_lowered  }
0x9d: {  	s22 =	simm.s32 $0x1BFF;
	s21 =	sshll.u32 s8, $0x1;
	s5 =	sadd.s32 s6, s19  }
0x9e: {  	s9 =	simm.s32 $0x0;
	s20 =	sshll.u32 s7, $0x1;
	s7 =	sadd.s32 s21, s5  }
0x9f: {  	[timem:s9], [sflag:s22] =	dma.local [hbm:s7], s20  }
0xa0: {  	_ =	swait.ge [sflag:s22], s20  }
0xa1: {  	s6 =	ssub.s32 $0x0, s20;
	[sflag:s22] =	ssyncset.done $0x0  }
0xa2: {  	[sflag:s22] =	ssyncadd.s32 s6;
	_ =	sdelay $0x1  }
0xa3: {  	s23 =	simm.s32 $0x1B8B  }
0xa4: {  	_ =	swait.ge [sflag:s23], $0x1  }
0xa5: {  	[sflag:s23] =	ssyncset.done $0x0  }
0xa6: {  	s25 =	simm.s32 $0x1B8E;
	s24 =	sld [smem:$0x3FFE];
	[sflag:s23] =	ssyncadd.s32 $0xFFFFFFFF  }
0xa7: {  	s26 =	simm.s32 $execute0_lowered;
	[smem:$0x3FD2] =	sst s25  }
0xa8: {  	s7 =	sshll.u32 s26, $0x1;
	_ =	strace $0x80000046;
	[dreg:$0x1] =	wrdreg $0xFFFFFFFF  }
0xa9: {  	s28 =	simm.s32 $_size_execute0_lowered;
	s5 =	sadd.s32 s5, s7;
	[dreg:$0x0] =	wrdreg $0x0  }
0xaa: {  	s7 =	sshll.u32 s28, $0x1;
	[dreg:$0x2] =	wrdreg s5  }
0xab: {  	[dreg:$0x3] =	wrdreg s7  }
0xac: {  	[dreg:$0x4] =	wrdreg $0xC0  }
0xad: {  	_ =	task [dreg:s9], $0x5FFFF  }
0xae: {  	[dreg:$0x1] =	wrdreg $0xFFFFFFFF  }
0xaf: {  	[dreg:$0x0] =	wrdreg $0x60  }
0xb0: {  	[dreg:$0x2] =	wrdreg s2  }
0xb1: {  	[dreg:$0x3] =	wrdreg s18  }
0xb2: {  	[dreg:$0x4] =	wrdreg s4  }
0xb3: {  	[dreg:$0x5] =	wrdreg s24  }
0xb4: {  	[dreg:$0x6] =	wrdreg $0x9  }
0xb5: {  	_ =	task.clear_ibuf [dreg:s9], $0x7FFFF;
	_ =	strace $0x90000046  }
0xb6: {  	s29 =	simm.s32 $0x9;
	_ =	strace $0x80000048  }
0xb7: {  	_ =	swait.ge [sflag:s29], $0x1  }
0xb8: {  	[sflag:s29] =	ssyncadd.s32 $0xFFFFFFFF  }
0xb9: {  	_ =	strace $0x90000048  }
0xba: {  	_ =	sfence  }
0xbb: {  	s30 =	sld [smem:$0x0];
	_ =	sdelay $0x2  }
0xbc: {  	s31 =	sshll.u32 s1, $0xD;
	s1 =	sshrl.u32 s1, $0x2  }
0xbd: {  	s3 =	sand.u32 $0x4000, s31;
	s1 =	sadd.s32 s1, s30  }
0xbe: {  	s0 =	sor.u32 s3, s0;
	s1 =	sshll.u32 s1, $0x11  }
0xbf: {  	s0 =	sor.u32 s1, s0  }
0xc0: {  	s0 =	sadd.s32 $0x8F2B, s0  }
0xc1: {  	[sflag:s0] =	ssyncadd.remote.s32 $0x1  }
0xc2: {  	_ =	sfence.sel $0xFFFF  }
0xc3: {  	[dreg:$0x0] =	wrdreg $0xFFFFFFFF;
	(pc) =	sbr.abs _section_cstart, $3  }
0xc4: {  	[dreg:$0x1] =	wrdreg $0xFFFFFFFF  }
0xc5: {  	_ =	task.clear_ibuf [dreg:s9], $0x2FFFF;
	_ =	strace $0x9FFFFFFF  }
0xc6: {  	(tm) =	ssettm $0x7FFFFFFF  }
0xc7: {  	_ =	shalt  }
tec
execute0_lowered:
.L_overlay_start_1:
0x0: {  	(tag) =	ssettag $0x1  }
0x1: {  	s0 =	rddreg [dreg:$0x1]  }
0x2: {  	s1 =	rddreg [dreg:$0x2]  }
0x3: {  	s2 =	rddreg [dreg:$0x3];
	s3 =	simm.s32 $0x0;
	s6 =	stileid.u32  }
0x4: {  	s4 =	srdreg.scid;
	s14 =	simm.s32 $0x80;
	s20 =	simm.s32 $0x6080  }
0x5: {  	s21 =	simm.s32 $0xE080;
	s22 =	simm.s32 $0x1;
	s28 =	simm.s32 $0x7  }
0x6: {  	s29 =	simm.s32 $0x4;
	s30 =	simm.s32 $0x8;
	s31 =	simm.s32 $0x5  }
0x7: {  	s15 =	simm.s32 $0x0;
	[smem:$0x7FF] =	sst s3;
	s4 =	sand.u32 $0x1, s4  }
0x8: {  	s5 =	sshll.u32 s6, $0x1;
	s6 =	sshll.u32 s6, $0xC;
	_ =	strace $0x80000047  }
0x9: {  	s7 =	ssub.s32 $0x2, s4;
	s8 =	sor.u32 s4, s5;
	s23 =	sand.u32 $0xC000, s6  }
0xa: {  	s24 =	sshrl.u32 s7, $0x1;
	s9 =	sshll.u32 s8, $0xC;
	s2 =	sadd.s32 s23, s2  }
0xb: {  	s11 =	sshll.u32 s8, $0x4;
	s23 =	simm.s32 $0x2;
	s13 =	ssub.s32 s7, s24  }
0xc: {  	s25 =	sor.u32 $0x400, s9;
	s4 =	sadd.s32 s0, s9;
	s5 =	sadd.s32 s1, s9  }
0xd: {  	s10 =	sor.u32 $0x800, s9;
	s12 =	sor.u32 $0xC00, s9;
	s11 =	sand.u32 $0x70, s11  }
0xe: {  	s24 =	simm.s32 $0x6;
	s6 =	sadd.s32 s0, s25;
	s7 =	sadd.s32 s1, s25  }
0xf: {  	s8 =	sadd.s32 s0, s10;
	s9 =	sadd.s32 s1, s10;
	s10 =	sadd.s32 s0, s12  }
0x10: {  	s26 =	sadd.s32 s11, s2;
	s11 =	sadd.s32 s1, s12;
	s13 =	smax.u32 s13, $0x1  }
0x11: {  	s25 =	simm.s32 $0x10100;
	s0 =	simm.s32 $0x9;
	s2 =	simm.s32 $0x400  }
0x12: {  	v0 =	vimm.f32 $0.0e+00;
	vm15 =	vmmov $0x7fff;
	s1 =	simm.s32 $0xA;
	s12 =	sadd.s32 $0x600, s26;
	s26 =	simm.s32 $0x3  }
.LBB2_1:
0x13: {  	s16 =	rddreg [dreg:$0x0]  }
0x14: {  	[tilespmem:s3], [sflag:$0x1] =	stream.linear.gather [hbm4b:s16+s3], $0x64, $0x38;
	[tilespmem:$0x14100] =	vst v63  }
0x15: {  	_ = 	snop  }
0x16: {  	[tilespmem:s14], [sflag:$0x2] =	stream.linear.gather [hbm4b:s4+s3], $0x2000, $0x38;
	[tilespmem:$0x14100] =	vst v63  }
0x17: {  	s18 =	simm.s32 $0x8080  }
0x18: {  	[tilespmem:s18], [sflag:$0x6] =	stream.linear.gather [hbm4b:s5+s3], $0x2000, $0x38;
	[tilespmem:$0x14100] =	vst v63  }
0x19: {  	s19 =	simm.s32 $0x2080  }
0x1a: {  	[tilespmem:s19], [sflag:$0x3] =	stream.linear.gather [hbm4b:s6+s3], $0x2000, $0x38;
	[tilespmem:$0x14100] =	vst v63  }
0x1b: {  	s17 =	simm.s32 $0xA080  }
0x1c: {  	[tilespmem:s17], [sflag:$0x7] =	stream.linear.gather [hbm4b:s7+s3], $0x2000, $0x38;
	[tilespmem:$0x14100] =	vst v63  }
0x1d: {  	s18 =	simm.s32 $0x4080  }
0x1e: {  	[tilespmem:s18], [sflag:$0x4] =	stream.linear.gather [hbm4b:s8+s3], $0x2000, $0x38;
	[tilespmem:$0x14100] =	vst v63  }
0x1f: {  	s19 =	simm.s32 $0xC080  }
0x20: {  	[tilespmem:s19], [sflag:$0x8] =	stream.linear.gather [hbm4b:s9+s3], $0x2000, $0x38;
	[tilespmem:$0x14100] =	vst v63  }
0x21: {  	_ = 	snop  }
0x22: {  	[tilespmem:s20], [sflag:$0x5] =	stream.linear.gather [hbm4b:s10+s3], $0x2000, $0x38;
	[tilespmem:$0x14100] =	vst v63  }
0x23: {  	s16 =	simm.s32 $0x10140  }
0x24: {  	[tilespmem:s21], [sflag:$0x9] =	stream.linear.gather [hbm4b:s11+s3], $0x2000, $0x38;
	[tilespmem:$0x14100] =	vst v63  }
0x25: {  	[tilespmem:s16+$0xFFFFFFC0] =	vst v0  }
0x26: {  	[tilespmem:s16+$0x30] =	vst v0  }
0x27: {  	[tilespmem:s16+$0x20] =	vst v0  }
0x28: {  	[tilespmem:s16+$0x10] =	vst v0  }
0x29: {  	[tilespmem:s16+$0x0] =	vst v0  }
0x2a: {  	[tilespmem:s16+$0xFFFFFFF0] =	vst v0  }
0x2b: {  	s17 =	simm.s32 $0x0;
	[tilespmem:s16+$0xFFFFFFE0] =	vst v0  }
.LBB2_2:
0x2c: {  	s17 =	sadd.s32 $0x80, s17;
	[tilespmem:s16+$0xFFFFFFD0] =	vst v0;
	s16 =	sadd.s32 $0x80, s16  }
0x2d: {  	[tilespmem:s16+$0xFFFFFFC0] =	vst v0;
	p0 =	slt.u32 s17, $0x3F80  }
0x2e: {  	[tilespmem:s16+$0x30] =	vst v0  }
.Ltmp0:
0x2f: {  	[tilespmem:s16+$0x20] =	vst v0;
	(pc) =	sbr.rel @p0 .LBB2_2-.Ltmp0, $4  }
0x30: {  	[tilespmem:s16+$0x10] =	vst v0  }
0x31: {  	[tilespmem:s16+$0x0] =	vst v0  }
0x32: {  	[tilespmem:s16+$0xFFFFFFF0] =	vst v0  }
0x33: {  	[tilespmem:s16+$0xFFFFFFE0] =	vst v0  }
0x34: {  	[tilespmem:s16+$0xFFFFFFD0] =	vst v0  }
0x35: {  	_ =	swait.ge [sflag:s22], $0x64  }
0x36: {  	[sflag:s22] =	ssyncset.done $0x0  }
0x37: {  	[sflag:s22] =	ssyncadd.s32 $0xFFFFFF9C  }
0x38: {  	_ =	swait.ge [sflag:s23], $0x2000  }
0x39: {  	[sflag:s23] =	ssyncset.done $0x0  }
0x3a: {  	[sflag:s23] =	ssyncadd.s32 $0xFFFFE000  }
0x3b: {  	_ =	swait.ge [sflag:s24], $0x2000  }
0x3c: {  	[sflag:s24] =	ssyncset.done $0x0  }
0x3d: {  	s16 =	simm.s32 $0x8100;
	[sflag:s24] =	ssyncadd.s32 $0xFFFFE000  }
0x3e: {  	v1 =	vld [tilespmem:s16+$0xFFFFFFA1]  }
0x3f: {  	v3 =	vld [tilespmem:s16+$0xFFFFFFE1]  }
0x40: {  	v2 =	vld [tilespmem:s16+$0xFFFFFFC1]  }
0x41: {  	v5 =	vld [tilespmem:s16+$0xFFFFFFE0]  }
0x42: {  	v4 =	vld [tilespmem:s16+$0x1]  }
0x43: {  	v7 =	vld [tilespmem:s16+$0xFFFFFFD1]  }
0x44: {  	v6 =	vld [tilespmem:s16+$0xFFFFFFD0]  }
0x45: {  	v10 =	vld [tilespmem:s16+$0x11]  }
0x46: {  	v14 =	vld [tilespmem:s16+$0x10]  }
0x47: {  	v13 =	vld [tilespmem:s16+$0x31]  }
0x48: {  	v15 =	vld [tilespmem:s16+$0x30]  }
0x49: {  	v16 =	vld [tilespmem:s16+$0x41]  }
0x4a: {  	v17 =	vld [tilespmem:s16+$0x40]  }
0x4b: {  	v18 =	vld [tilespmem:s16+$0x51]  }
0x4c: {  	v20 =	vld [tilespmem:s16+$0x50]  }
0x4d: {  	v19 =	vld [tilespmem:s16+$0xFFFFFF91]  }
0x4e: {  	v21 =	vld [tilespmem:s16+$0xFFFFFF90]  }
0x4f: {  	v22 =	vld [tilespmem:s16+$0x71]  }
0x50: {  	v23 =	vld [tilespmem:s16+$0x70]  }
0x51: {  	v8 =	vld [tilespmem:s16+$0xFFFFFF81]  }
0x52: {  	s17 =	simm.s32 $0x100;
	v9 =	vld [tilespmem:s16+$0xFFFFFF80]  }
0x53: {  	v11 =	vld [tilespmem:s17+$0x50]  }
0x54: {  	v12 =	vld [tilespmem:s17+$0x60]  }
0x55: {  	v24 =	vld [tilespmem:s17+$0xFFFFFF80]  }
0x56: {  	v25 =	vld [tilespmem:s17+$0x70]  }
0x57: {  	v26 =	vld [tilespmem:s16+$0x61]  }
0x58: {  	v27 =	vld [tilespmem:s16+$0x60]  }
0x59: {  	v28 =	vld [tilespmem:s17+$0xFFFFFFF0]  }
0x5a: {  	v29 =	vld [tilespmem:s17+$0xFFFFFFD0]  }
0x5b: {  	v30 =	vld [tilespmem:s17+$0xFFFFFFE0]  }
0x5c: {  	v31 =	vld [tilespmem:s17+$0x0]  }
0x5d: {  	v32 =	vld [tilespmem:s17+$0x40]  }
0x5e: {  	v33 =	vld [tilespmem:s17+$0xFFFFFF90]  }
0x5f: {  	v34 =	vld [tilespmem:s17+$0xFFFFFFB0]  }
0x60: {  	v24 =	vld.idx.msk [tilespmem:v24+s3+$0x0], $0xffff  }
0x61: {  	v35 =	vld [tilespmem:s17+$0x30]  }
0x62: {  	v36 =	vld [tilespmem:s17+$0x20]  }
0x63: {  	v46 =	vld [tilespmem:s17+$0x10]  }
0x64: {  	v25 =	vld.idx.msk [tilespmem:v25+s3+$0x0], $0xffff  }
0x65: {  	v12 =	vld.idx.msk [tilespmem:v12+s3+$0x0], $0xffff;
	(xrf2) =	vadd.scan.msk.f32 $0xffff, v24  }
0x66: {  	v48 =	vld [tilespmem:s17+$0xFFFFFFC0]  }
0x67: {  	v50 =	vld [tilespmem:s17+$0xFFFFFFA0]  }
0x68: {  	v37 =	vld.idx.msk [tilespmem:v11+s3+$0x0], $0xffff  }
0x69: {  	v11 =	vld.idx.msk [tilespmem:v32+s3+$0x0], $0xffff;
	(xrf2) =	vadd.scan.msk.f32 $0xffff, v25  }
0x6a: {  	v47 =	vld.idx.msk [tilespmem:v33+s3+$0x0], $0xffff;
	(xrf2) =	vadd.scan.msk.f32 $0xffff, v12  }
0x6b: {  	vm0 =	vcmask $0x3F3C;
	vm2 =	vne.s32 v9, v8;
	v49 =	vld.idx.msk [tilespmem:v35+s3+$0x0], $0xffff  }
0x6c: {  	vm3 =	vmor vm2, vm0;
	v31 =	vld.idx.msk [tilespmem:v31+s3+$0x0], $0xffff  }
0x6d: {  	v30 =	vld.idx.msk [tilespmem:v30+s3+$0x0], $0xffff  }
0x6e: {  	vm2 =	vmand vm2, vm15;
	v29 =	vld.idx.msk [tilespmem:v29+s3+$0x0], $0xffff  }
0x6f: {  	vm5 =	vne.s32 v27, v26;
	v51 =	vnsel vm2, $0x0, v8;
	v8 =	vld.idx.msk [tilespmem:v50+s3+$0x0], $0xffff;
	v38, _, _ =	vpop (xrf2);
	(xrf2) =	vadd.scan.msk.f32 $0xffff, v47  }
0x70: {  	vm6 =	vmor vm5, vm0;
	v55 =	vld.idx.msk [tilespmem:v36+s3+$0x0], $0xffff  }
0x71: {  	vm4 =	vne.s32 v23, v22;
	vm5 =	vmand vm5, vm15;
	v24 =	vld.idx.msk [tilespmem:v46+s3+$0x0], $0xffff  }
0x72: {  	v26 =	vnsel vm5, $0x0, v26;
	[tilespmem:v9+s25+$0x0] =	vst.idx.add.f32.msk vm3, v38;
	vm3 =	vmor vm4, vm0;
	v53 =	vsub.f32 $0.0e+00, v38  }
0x73: {  	v12 =	vld.idx.msk [tilespmem:v48+s3+$0x0], $0xffff;
	(xrf2) =	vadd.scan.msk.f32 $0xffff, v11;
	v52, _, _ =	vpop (xrf2)  }
0x74: {  	vm7 =	vne.s32 v21, v19;
	(xrf2) =	vadd.scan.msk.f32 $0xffff, v37;
	v54, _, _ =	vpop (xrf2);
	[tilespmem:v51+s25+$0x0] =	vst.idx.add.f32.msk vm2, v53;
	vm2 =	vmand vm4, vm15  }
0x75: {  	vm8 =	vmor vm7, vm0;
	v9 =	vld.idx.msk [tilespmem:v34+s3+$0x0], $0xffff;
	v56 =	vsub.f32 $0.0e+00, v54;
	v22 =	vnsel vm2, $0x0, v22  }
0x76: {  	vm7 =	vmand vm7, vm15;
	(xrf2) =	vadd.scan.msk.f32 $0xffff, v49;
	[tilespmem:v27+s25+$0x0] =	vst.idx.add.f32.msk vm6, v54  }
0x77: {  	v19 =	vnsel vm7, $0x0, v19;
	vm4 =	vne.s32 v17, v16;
	[tilespmem:v26+s25+$0x0] =	vst.idx.add.f32.msk vm5, v56  }
0x78: {  	v59 =	vsub.f32 $0.0e+00, v52;
	vm5 =	vmor vm4, vm0;
	[tilespmem:v23+s25+$0x0] =	vst.idx.add.f32.msk vm3, v52;
	vm3 =	vne.s32 v20, v18  }
0x79: {  	v11 =	vld.idx.msk [tilespmem:v28+s3+$0x0], $0xffff;
	vm6 =	vmor vm3, vm0;
	v57, _, _ =	vpop (xrf2)  }
0x7a: {  	[tilespmem:v22+s25+$0x0] =	vst.idx.add.f32.msk vm2, v59;
	v58 =	vsub.f32 $0.0e+00, v57  }
0x7b: {  	vm3 =	vmand vm3, vm15;
	(xrf2) =	vadd.scan.msk.f32 $0xffff, v24;
	[tilespmem:v21+s25+$0x0] =	vst.idx.add.f32.msk vm8, v57  }
0x7c: {  	vm4 =	vmand vm4, vm15;
	v60 =	vnsel vm3, $0x0, v18;
	[tilespmem:v19+s25+$0x0] =	vst.idx.add.f32.msk vm7, v58;
	vm7 =	vne.s32 v15, v13  }
0x7d: {  	v16 =	vnsel vm4, $0x0, v16;
	v18 =	vld [tilespmem:s16+$0x20];
	v61, _, _ =	vpop (xrf2);
	(xrf2) =	vadd.scan.msk.f32 $0xffff, v31;
	vm2 =	vmor vm7, vm0  }
0x7e: {  	v62, _, _ =	vpop (xrf2);
	[tilespmem:v17+s25+$0x0] =	vst.idx.add.f32.msk vm5, v61  }
0x7f: {  	vm8 =	vne.s32 v14, v10;
	vm7 =	vmand vm7, vm15;
	[tilespmem:v20+s25+$0x0] =	vst.idx.add.f32.msk vm6, v62;
	v20 =	vsub.f32 $0.0e+00, v62  }
0x80: {  	v19 =	vld [tilespmem:s16+$0x21];
	v17, _, _ =	vpop (xrf2);
	(xrf2) =	vadd.scan.msk.f32 $0xffff, v55;
	vm6 =	vmor vm8, vm0;
	v63 =	vnsel vm7, $0x0, v13;
	v13 =	vsub.f32 $0.0e+00, v61  }
0x81: {  	[tilespmem:v60+s25+$0x0] =	vst.idx.add.f32.msk vm3, v20  }
0x82: {  	vm5 =	vmand vm8, vm15;
	[tilespmem:v16+s25+$0x0] =	vst.idx.add.f32.msk vm4, v13  }
0x83: {  	(xrf2) =	vadd.scan.msk.f32 $0xffff, v29;
	v16 =	vsub.f32 $0.0e+00, v17;
	[tilespmem:v15+s25+$0x0] =	vst.idx.add.f32.msk vm2, v17;
	v15 =	vnsel vm5, $0x0, v10  }
0x84: {  	v13 =	vld [tilespmem:s16+$0x0]  }
0x85: {  	vm3 =	vne.s32 v6, v7;
	vm4 =	vne.s32 v18, v19;
	v10, _, _ =	vpop (xrf2);
	[tilespmem:v63+s25+$0x0] =	vst.idx.add.f32.msk vm7, v16  }
0x86: {  	s18 =	simm.s32 $0x0;
	s19 =	simm.s32 $0x8100;
	vm2 =	vne.s32 v5, v3;
	(xrf2) =	vadd.scan.msk.f32 $0xffff, v30;
	[tilespmem:v14+s25+$0x0] =	vst.idx.add.f32.msk vm6, v10;
	v10 =	vsub.f32 $0.0e+00, v10  }
.LBB2_4:
0x87: {  	s18 =	sadd.s32 $0x100, s18;
	v14 =	vld [tilespmem:s16+$0xFFFFFFC0];
	s19 =	sadd.s32 $0x100, s19;
	s17 =	sadd.s32 $0x100, s17;
	v16, _, _ =	vpop (xrf2)  }
0x88: {  	vm6 =	vmor vm4, vm0;
	p0 =	slt.u32 s18, $0x1F00;
	[tilespmem:v15+s25+$0x0] =	vst.idx.add.f32.msk vm5, v10  }
0x89: {  	vm7 =	vmor vm3, vm0;
	v10 =	vld [tilespmem:s16+$0xFFFFFFA0];
	(xrf2) =	vadd.scan.msk.f32 $0xffff, v12  }
0x8a: {  	vm8 =	vmand vm3, vm15;
	vm5 =	vne.s32 v13, v4;
	v12 =	vld [tilespmem:s16+$0xFFFFFFB1];
	v15, _, _ =	vpop (xrf2)  }
0x8b: {  	v7 =	vnsel vm8, $0x0, v7;
	vm9 =	vmor vm5, vm0;
	v17 =	vld [tilespmem:s16+$0xFFFFFFB0]  }
0x8c: {  	vm11 =	vmor vm2, vm0;
	vm10 =	vne.s32 v14, v2;
	v20 =	vld [tilespmem:s16+$0xFFFFFFF1];
	(xrf2) =	vadd.scan.msk.f32 $0xffff, v11  }
0x8d: {  	vm12 =	vmand vm4, vm15;
	v11 =	vld [tilespmem:s16+$0xFFFFFFF0];
	v21, _, _ =	vpop (xrf2);
	s16 =	smov.u32 s19  }
0x8e: {  	vm13 =	vmor vm10, vm0;
	v22 =	vsub.f32 $0.0e+00, v21;
	[tilespmem:v18+s25+$0x0] =	vst.idx.add.f32.msk vm6, v15;
	v18 =	vnsel vm12, $0x0, v19  }
0x8f: {  	vm3 =	vne.s32 v10, v1;
	vm6 =	vmand vm2, vm15;
	[tilespmem:v6+s25+$0x0] =	vst.idx.add.f32.msk vm7, v21;
	(xrf2) =	vadd.scan.msk.f32 $0xffff, v9  }
0x90: {  	v3 =	vnsel vm6, $0x0, v3;
	vm4 =	vne.s32 v17, v12;
	[tilespmem:v7+s25+$0x0] =	vst.idx.add.f32.msk vm8, v22;
	v6, _, _ =	vpop (xrf2)  }
0x91: {  	vm2 =	vmand vm10, vm15;
	v7 =	vsub.f32 $0.0e+00, v15;
	[tilespmem:v13+s25+$0x0] =	vst.idx.add.f32.msk vm9, v16  }
0x92: {  	vm5 =	vmand vm5, vm15;
	[tilespmem:v5+s25+$0x0] =	vst.idx.add.f32.msk vm11, v6;
	vm7 =	vne.s32 v11, v20;
	(xrf2) =	vadd.scan.msk.f32 $0xffff, v8  }
0x93: {  	v4 =	vnsel vm5, $0x0, v4;
	v5 =	vsub.f32 $0.0e+00, v6;
	vm8 =	vmor vm7, vm0;
	[tilespmem:v18+s25+$0x0] =	vst.idx.add.f32.msk vm12, v7;
	v6, _, _ =	vpop (xrf2)  }
0x94: {  	v2 =	vnsel vm2, $0x0, v2;
	vm7 =	vmand vm7, vm15;
	[tilespmem:v14+s25+$0x0] =	vst.idx.add.f32.msk vm13, v6;
	v6 =	vsub.f32 $0.0e+00, v6  }
0x95: {  	v7 =	vsub.f32 $0.0e+00, v16;
	[tilespmem:v3+s25+$0x0] =	vst.idx.add.f32.msk vm6, v5;
	v5 =	vnsel vm7, $0x0, v20  }
0x96: {  	v8 =	vld [tilespmem:s19+$0xFFFFFFA1];
	v9, _, _ =	vpop (xrf2)  }
0x97: {  	vm6 =	vmor vm4, vm0;
	v3 =	vld [tilespmem:s19+$0xFFFFFFE1]  }
0x98: {  	vm9 =	vmor vm3, vm0;
	v13 =	vsub.f32 $0.0e+00, v9;
	[tilespmem:v4+s25+$0x0] =	vst.idx.add.f32.msk vm5, v7  }
0x99: {  	vm3 =	vmand vm3, vm15;
	vm4 =	vmand vm4, vm15;
	[tilespmem:v11+s25+$0x0] =	vst.idx.add.f32.msk vm8, v9;
	v4, _, _ =	vpop (xrf2)  }
0x9a: {  	v7 =	vnsel vm3, $0x0, v1;
	v9 =	vnsel vm4, $0x0, v12;
	[tilespmem:v2+s25+$0x0] =	vst.idx.add.f32.msk vm2, v6  }
0x9b: {  	v2 =	vld [tilespmem:s19+$0xFFFFFFC1];
	v1 =	vmov v8  }
0x9c: {  	[tilespmem:v5+s25+$0x0] =	vst.idx.add.f32.msk vm7, v13;
	v5, _, _ =	vpop (xrf2)  }
0x9d: {  	v6 =	vsub.f32 $0.0e+00, v5;
	[tilespmem:v17+s25+$0x0] =	vst.idx.add.f32.msk vm6, v4;
	v4 =	vsub.f32 $0.0e+00, v4  }
0x9e: {  	[tilespmem:v10+s25+$0x0] =	vst.idx.add.f32.msk vm9, v5  }
0x9f: {  	[tilespmem:v7+s25+$0x0] =	vst.idx.add.f32.msk vm3, v6  }
0xa0: {  	[tilespmem:v9+s25+$0x0] =	vst.idx.add.f32.msk vm4, v4  }
0xa1: {  	v5 =	vld [tilespmem:s19+$0xFFFFFFE0]  }
0xa2: {  	v4 =	vld [tilespmem:s19+$0x1]  }
0xa3: {  	v7 =	vld [tilespmem:s19+$0xFFFFFFD1]  }
0xa4: {  	v6 =	vld [tilespmem:s19+$0xFFFFFFD0]  }
0xa5: {  	v13 =	vld [tilespmem:s19+$0x11]  }
0xa6: {  	vm2 =	vne.s32 v5, v3;
	v10 =	vld [tilespmem:s19+$0x10]  }
0xa7: {  	v15 =	vld [tilespmem:s19+$0x31]  }
0xa8: {  	v14 =	vld [tilespmem:s19+$0x30]  }
0xa9: {  	vm3 =	vne.s32 v6, v7;
	v18 =	vld [tilespmem:s19+$0x41]  }
0xaa: {  	v16 =	vld [tilespmem:s19+$0x40]  }
0xab: {  	vm4 =	vne.s32 v10, v13;
	v19 =	vld [tilespmem:s19+$0x51]  }
0xac: {  	v17 =	vld [tilespmem:s19+$0x50]  }
0xad: {  	v20 =	vld [tilespmem:s19+$0xFFFFFF91];
	vm5 =	vne.s32 v14, v15  }
0xae: {  	v21 =	vld [tilespmem:s19+$0xFFFFFF90]  }
0xaf: {  	vm6 =	vne.s32 v16, v18;
	v22 =	vld [tilespmem:s19+$0x71]  }
0xb0: {  	v23 =	vld [tilespmem:s19+$0x70]  }
0xb1: {  	v8 =	vld [tilespmem:s19+$0xFFFFFF81];
	vm7 =	vne.s32 v17, v19  }
0xb2: {  	v9 =	vld [tilespmem:s19+$0xFFFFFF80]  }
0xb3: {  	v11 =	vld [tilespmem:s17+$0x50]  }
0xb4: {  	v12 =	vld [tilespmem:s17+$0x60]  }
0xb5: {  	v24 =	vld [tilespmem:s17+$0xFFFFFF80];
	vm8 =	vne.s32 v23, v22  }
0xb6: {  	v25 =	vld [tilespmem:s17+$0x70]  }
0xb7: {  	vm9 =	vne.s32 v9, v8;
	v26 =	vld [tilespmem:s19+$0x61]  }
0xb8: {  	v27 =	vld [tilespmem:s19+$0x60]  }
0xb9: {  	v28 =	vld [tilespmem:s17+$0xFFFFFFF0]  }
0xba: {  	v29 =	vld [tilespmem:s17+$0xFFFFFFD0]  }
0xbb: {  	v30 =	vld [tilespmem:s17+$0xFFFFFFE0]  }
0xbc: {  	v31 =	vld [tilespmem:s17+$0x0]  }
0xbd: {  	v24 =	vld.idx.msk [tilespmem:v24+s3+$0x0], $0xffff;
	vm10 =	vne.s32 v27, v26  }
0xbe: {  	v25 =	vld.idx.msk [tilespmem:v25+s3+$0x0], $0xffff  }
0xbf: {  	v32 =	vld [tilespmem:s17+$0x40]  }
0xc0: {  	v33 =	vld [tilespmem:s17+$0xFFFFFF90]  }
0xc1: {  	v34 =	vld [tilespmem:s17+$0xFFFFFFB0]  }
0xc2: {  	v35 =	vld [tilespmem:s17+$0x30]  }
0xc3: {  	v36 =	vld [tilespmem:s17+$0x20];
	(xrf2) =	vadd.scan.msk.f32 $0xffff, v24  }
0xc4: {  	v24 =	vld [tilespmem:s17+$0x10]  }
0xc5: {  	v12 =	vld.idx.msk [tilespmem:v12+s3+$0x0], $0xffff  }
0xc6: {  	v37 =	vld.idx.msk [tilespmem:v11+s3+$0x0], $0xffff  }
0xc7: {  	v11 =	vld.idx.msk [tilespmem:v32+s3+$0x0], $0xffff  }
0xc8: {  	vm11 =	vmor vm9, vm0;
	v32 =	vld.idx.msk [tilespmem:v33+s3+$0x0], $0xffff;
	(xrf2) =	vadd.scan.msk.f32 $0xffff, v25  }
0xc9: {  	v25 =	vld [tilespmem:s17+$0xFFFFFFC0]  }
0xca: {  	v33 =	vld.idx.msk [tilespmem:v35+s3+$0x0], $0xffff  }
0xcb: {  	v35 =	vld [tilespmem:s17+$0xFFFFFFA0];
	(xrf2) =	vadd.scan.msk.f32 $0xffff, v12  }
0xcc: {  	v24 =	vld.idx.msk [tilespmem:v24+s3+$0x0], $0xffff  }
0xcd: {  	v31 =	vld.idx.msk [tilespmem:v31+s3+$0x0], $0xffff;
	v38, _, _ =	vpop (xrf2)  }
0xce: {  	[tilespmem:v9+s25+$0x0] =	vst.idx.add.f32.msk vm11, v38;
	(xrf2) =	vadd.scan.msk.f32 $0xffff, v32  }
0xcf: {  	vm11 =	vmor vm8, vm0;
	v30 =	vld.idx.msk [tilespmem:v30+s3+$0x0], $0xffff  }
0xd0: {  	vm9 =	vmand vm9, vm15;
	v29 =	vld.idx.msk [tilespmem:v29+s3+$0x0], $0xffff  }
0xd1: {  	v32 =	vnsel vm9, $0x0, v8;
	v12 =	vld.idx.msk [tilespmem:v25+s3+$0x0], $0xffff;
	(xrf2) =	vadd.scan.msk.f32 $0xffff, v11  }
0xd2: {  	vm12 =	vmor vm10, vm0;
	v9 =	vld.idx.msk [tilespmem:v34+s3+$0x0], $0xffff;
	v25, _, _ =	vpop (xrf2)  }
0xd3: {  	vm13 =	vne.s32 v21, v20;
	vm10 =	vmand vm10, vm15;
	v8 =	vld.idx.msk [tilespmem:v35+s3+$0x0], $0xffff  }
0xd4: {  	vm14 =	vmor vm13, vm0;
	v26 =	vnsel vm10, $0x0, v26;
	v34 =	vsub.f32 $0.0e+00, v38;
	v11 =	vld.idx.msk [tilespmem:v28+s3+$0x0], $0xffff;
	(xrf2) =	vadd.scan.msk.f32 $0xffff, v37  }
0xd5: {  	vm13 =	vmand vm13, vm15;
	[tilespmem:v23+s25+$0x0] =	vst.idx.add.f32.msk vm11, v25;
	v23, _, _ =	vpop (xrf2)  }
0xd6: {  	v20 =	vnsel vm13, $0x0, v20;
	vm8 =	vmand vm8, vm15;
	[tilespmem:v32+s25+$0x0] =	vst.idx.add.f32.msk vm9, v34  }
0xd7: {  	v22 =	vnsel vm8, $0x0, v22;
	v32 =	vsub.f32 $0.0e+00, v23;
	v28 =	vld.idx.msk [tilespmem:v36+s3+$0x0], $0xffff;
	(xrf2) =	vadd.scan.msk.f32 $0xffff, v33  }
0xd8: {  	[tilespmem:v27+s25+$0x0] =	vst.idx.add.f32.msk vm12, v23;
	v23, _, _ =	vpop (xrf2)  }
0xd9: {  	vm9 =	vmor vm7, vm0;
	v27 =	vsub.f32 $0.0e+00, v23;
	[tilespmem:v26+s25+$0x0] =	vst.idx.add.f32.msk vm10, v32  }
0xda: {  	vm10 =	vmor vm6, vm0;
	[tilespmem:v21+s25+$0x0] =	vst.idx.add.f32.msk vm14, v23;
	v21 =	vsub.f32 $0.0e+00, v25;
	(xrf2) =	vadd.scan.msk.f32 $0xffff, v24  }
0xdb: {  	vm7 =	vmand vm7, vm15;
	[tilespmem:v20+s25+$0x0] =	vst.idx.add.f32.msk vm13, v27;
	v20, _, _ =	vpop (xrf2)  }
0xdc: {  	vm6 =	vmand vm6, vm15;
	v23 =	vnsel vm7, $0x0, v19;
	[tilespmem:v22+s25+$0x0] =	vst.idx.add.f32.msk vm8, v21  }
0xdd: {  	vm8 =	vmor vm5, vm0;
	v21 =	vnsel vm6, $0x0, v18;
	v19 =	vld [tilespmem:s19+$0x21];
	(xrf2) =	vadd.scan.msk.f32 $0xffff, v31  }
0xde: {  	v18 =	vld [tilespmem:s19+$0x20];
	v22, _, _ =	vpop (xrf2)  }
0xdf: {  	vm11 =	vmor vm4, vm0;
	vm12 =	vmand vm5, vm15;
	[tilespmem:v17+s25+$0x0] =	vst.idx.add.f32.msk vm9, v22;
	v17 =	vsub.f32 $0.0e+00, v22  }
0xe0: {  	v22 =	vnsel vm12, $0x0, v15;
	v15 =	vsub.f32 $0.0e+00, v20;
	[tilespmem:v16+s25+$0x0] =	vst.idx.add.f32.msk vm10, v20;
	(xrf2) =	vadd.scan.msk.f32 $0xffff, v28  }
0xe1: {  	[tilespmem:v23+s25+$0x0] =	vst.idx.add.f32.msk vm7, v17;
	v16, _, _ =	vpop (xrf2)  }
.Ltmp1:
0xe2: {  	vm5 =	vmand vm4, vm15;
	[tilespmem:v21+s25+$0x0] =	vst.idx.add.f32.msk vm6, v15;
	(pc) =	sbr.rel @p0 .LBB2_4-.Ltmp1, $4  }
0xe3: {  	v15 =	vnsel vm5, $0x0, v13;
	[tilespmem:v14+s25+$0x0] =	vst.idx.add.f32.msk vm8, v16;
	v14 =	vsub.f32 $0.0e+00, v16;
	(xrf2) =	vadd.scan.msk.f32 $0xffff, v29  }
0xe4: {  	vm4 =	vne.s32 v18, v19;
	v13 =	vld [tilespmem:s19+$0x0];
	v16, _, _ =	vpop (xrf2)  }
0xe5: {  	[tilespmem:v22+s25+$0x0] =	vst.idx.add.f32.msk vm12, v14  }
0xe6: {  	[tilespmem:v10+s25+$0x0] =	vst.idx.add.f32.msk vm11, v16;
	v10 =	vsub.f32 $0.0e+00, v16;
	(xrf2) =	vadd.scan.msk.f32 $0xffff, v30  }
0xe7: {  	_ =	sdelay $0x3  }
0xe8: {  	v14 =	vld [tilespmem:s16+$0xFFFFFFC0]  }
0xe9: {  	[tilespmem:v15+s25+$0x0] =	vst.idx.add.f32.msk vm5, v10;
	vm5 =	vmor vm4, vm0  }
0xea: {  	vm6 =	vmor vm3, vm0;
	(xrf2) =	vadd.scan.msk.f32 $0xffff, v12;
	v12 =	vld [tilespmem:s16+$0xFFFFFFF1]  }
0xeb: {  	vm3 =	vmand vm3, vm15;
	v16 =	vld [tilespmem:s16+$0xFFFFFFF0];
	vm7 =	vne.s32 v13, v4  }
0xec: {  	v17 =	vld [tilespmem:s16+$0xFFFFFFB1];
	v15, _, _ =	vpop (xrf2);
	v7 =	vnsel vm3, $0x0, v7;
	vm8 =	vmor vm7, vm0  }
0xed: {  	vm10 =	vmor vm2, vm0;
	v10 =	vld [tilespmem:s16+$0xFFFFFFA0];
	v20, _, _ =	vpop (xrf2);
	(xrf2) =	vadd.scan.msk.f32 $0xffff, v11  }
0xee: {  	vm2 =	vmand vm2, vm15;
	vm4 =	vmand vm4, vm15;
	v11 =	vld [tilespmem:s16+$0xFFFFFFB0];
	vm9 =	vne.s32 v14, v2;
	v21, _, _ =	vpop (xrf2)  }
0xef: {  	vm11 =	vmor vm9, vm0;
	v22 =	vsub.f32 $0.0e+00, v21;
	[tilespmem:v18+s25+$0x0] =	vst.idx.add.f32.msk vm5, v20;
	v18 =	vnsel vm4, $0x0, v19  }
0xf0: {  	v3 =	vnsel vm2, $0x0, v3;
	(xrf2) =	vadd.scan.msk.f32 $0xffff, v9;
	[tilespmem:v6+s25+$0x0] =	vst.idx.add.f32.msk vm6, v21  }
0xf1: {  	vm9 =	vmand vm9, vm15;
	(xrf2) =	vadd.scan.msk.f32 $0xffff, v8;
	vm5 =	vmand vm7, vm15;
	[tilespmem:v7+s25+$0x0] =	vst.idx.add.f32.msk vm3, v22  }
0xf2: {  	v4 =	vnsel vm5, $0x0, v4;
	vm3 =	vne.s32 v16, v12;
	v6, _, _ =	vpop (xrf2);
	[tilespmem:v13+s25+$0x0] =	vst.idx.add.f32.msk vm8, v15;
	v7 =	vsub.f32 $0.0e+00, v20  }
0xf3: {  	v2 =	vnsel vm9, $0x0, v2;
	vm6 =	vmor vm3, vm0;
	[tilespmem:v5+s25+$0x0] =	vst.idx.add.f32.msk vm10, v6;
	v5 =	vsub.f32 $0.0e+00, v6  }
0xf4: {  	vm7 =	vne.s32 v10, v1;
	vm8 =	vne.s32 v11, v17;
	v6, _, _ =	vpop (xrf2);
	vm3 =	vmand vm3, vm15;
	[tilespmem:v18+s25+$0x0] =	vst.idx.add.f32.msk vm4, v7  }
0xf5: {  	v8 =	vsub.f32 $0.0e+00, v15;
	[tilespmem:v14+s25+$0x0] =	vst.idx.add.f32.msk vm11, v6;
	v7 =	vnsel vm3, $0x0, v12;
	vm4 =	vmor vm8, vm0  }
0xf6: {  	[tilespmem:v3+s25+$0x0] =	vst.idx.add.f32.msk vm2, v5;
	vm2 =	vmor vm7, vm0;
	v3 =	vsub.f32 $0.0e+00, v6  }
0xf7: {  	[tilespmem:v4+s25+$0x0] =	vst.idx.add.f32.msk vm5, v8;
	vm5 =	vmand vm7, vm15;
	vm7 =	vmand vm8, vm15;
	v5, _, _ =	vpop (xrf2)  }
0xf8: {  	v6 =	vnsel vm7, $0x0, v17;
	[tilespmem:v2+s25+$0x0] =	vst.idx.add.f32.msk vm9, v3;
	v4 =	vsub.f32 $0.0e+00, v5  }
0xf9: {  	v1 =	vnsel vm5, $0x0, v1;
	[tilespmem:v16+s25+$0x0] =	vst.idx.add.f32.msk vm6, v5  }
0xfa: {  	v5, _, _ =	vpop (xrf2);
	[tilespmem:v7+s25+$0x0] =	vst.idx.add.f32.msk vm3, v4  }
0xfb: {  	v2, _, _ =	vpop (xrf2);
	v4 =	vsub.f32 $0.0e+00, v5;
	[tilespmem:v11+s25+$0x0] =	vst.idx.add.f32.msk vm4, v5  }
0xfc: {  	v3 =	vsub.f32 $0.0e+00, v2;
	[tilespmem:v10+s25+$0x0] =	vst.idx.add.f32.msk vm2, v2  }
0xfd: {  	[tilespmem:v6+s25+$0x0] =	vst.idx.add.f32.msk vm7, v4  }
0xfe: {  	[tilespmem:v1+s25+$0x0] =	vst.idx.add.f32.msk vm5, v3  }
0xff: {  	_ =	swait.ge [sflag:s26], $0x2000  }
0x100: {  	[sflag:s26] =	ssyncset.done $0x0  }
0x101: {  	[sflag:s26] =	ssyncadd.s32 $0xFFFFE000  }
0x102: {  	_ =	swait.ge [sflag:s28], $0x2000  }
0x103: {  	[sflag:s28] =	ssyncset.done $0x0  }
0x104: {  	s16 =	simm.s32 $0xA171;
	[sflag:s28] =	ssyncadd.s32 $0xFFFFE000  }
0x105: {  	v1 =	vld [tilespmem:s16+$0xFFFFFF30]  }
0x106: {  	v3 =	vld [tilespmem:s16+$0xFFFFFF70]  }
0x107: {  	v2 =	vld [tilespmem:s16+$0xFFFFFF50]  }
0x108: {  	v5 =	vld [tilespmem:s16+$0xFFFFFF6F]  }
0x109: {  	v4 =	vld [tilespmem:s16+$0xFFFFFF90]  }
0x10a: {  	v7 =	vld [tilespmem:s16+$0xFFFFFF60]  }
0x10b: {  	v6 =	vld [tilespmem:s16+$0xFFFFFF5F]  }
0x10c: {  	v10 =	vld [tilespmem:s16+$0xFFFFFFA0]  }
0x10d: {  	v14 =	vld [tilespmem:s16+$0xFFFFFF9F]  }
0x10e: {  	v13 =	vld [tilespmem:s16+$0xFFFFFFC0]  }
0x10f: {  	v15 =	vld [tilespmem:s16+$0xFFFFFFBF]  }
0x110: {  	v16 =	vld [tilespmem:s16+$0xFFFFFFD0]  }
0x111: {  	v17 =	vld [tilespmem:s16+$0xFFFFFFCF]  }
0x112: {  	v18 =	vld [tilespmem:s16+$0xFFFFFFE0]  }
0x113: {  	v20 =	vld [tilespmem:s16+$0xFFFFFFDF]  }
0x114: {  	v19 =	vld [tilespmem:s16+$0xFFFFFF20]  }
0x115: {  	v44 =	vld [tilespmem:s16+$0xFFFFFF1F]  }
0x116: {  	v45 =	vld [tilespmem:s16+$0x0]  }
0x117: {  	v23 =	vld [tilespmem:s16+$0xFFFFFFFF]  }
0x118: {  	v8 =	vld [tilespmem:s16+$0xFFFFFF10]  }
0x119: {  	s17 =	simm.s32 $0x2170;
	v9 =	vld [tilespmem:s16+$0xFFFFFF0F]  }
0x11a: {  	v11 =	vld [tilespmem:s17+$0xFFFFFFE0]  }
0x11b: {  	v12 =	vld [tilespmem:s17+$0xFFFFFFF0]  }
0x11c: {  	v24 =	vld [tilespmem:s17+$0xFFFFFF10]  }
0x11d: {  	v25 =	vld [tilespmem:s17+$0x0]  }
0x11e: {  	v26 =	vld [tilespmem:s16+$0xFFFFFFF0]  }
0x11f: {  	v27 =	vld [tilespmem:s16+$0xFFFFFFEF]  }
0x120: {  	v28 =	vld [tilespmem:s17+$0xFFFFFF80]  }
0x121: {  	v29 =	vld [tilespmem:s17+$0xFFFFFF60]  }
0x122: {  	v30 =	vld [tilespmem:s17+$0xFFFFFF70]  }
0x123: {  	v31 =	vld [tilespmem:s17+$0xFFFFFF90]  }
0x124: {  	v32 =	vld [tilespmem:s17+$0xFFFFFFD0]  }
0x125: {  	v33 =	vld [tilespmem:s17+$0xFFFFFF20]  }
0x126: {  	v34 =	vld [tilespmem:s17+$0xFFFFFF40]  }
0x127: {  	v35 =	vld [tilespmem:s17+$0xFFFFFFC0]  }
0x128: {  	v36 =	vld [tilespmem:s17+$0xFFFFFFB0]  }
0x129: {  	v46 =	vld [tilespmem:s17+$0xFFFFFFA0]  }
0x12a: {  	v24 =	vld.idx.msk [tilespmem:v24+s3+$0x0], $0xffff  }
0x12b: {  	v48 =	vld [tilespmem:s17+$0xFFFFFF50]  }
0x12c: {  	v25 =	vld.idx.msk [tilespmem:v25+s3+$0x0], $0xffff  }
0x12d: {  	v12 =	vld.idx.msk [tilespmem:v12+s3+$0x0], $0xffff  }
0x12e: {  	v50 =	vld [tilespmem:s17+$0xFFFFFF30]  }
0x12f: {  	v37 =	vld.idx.msk [tilespmem:v11+s3+$0x0], $0xffff;
	(xrf2) =	vadd.scan.msk.f32 $0xffff, v24  }
0x130: {  	v47 =	vld.idx.msk [tilespmem:v33+s3+$0x0], $0xffff  }
0x131: {  	v11 =	vld.idx.msk [tilespmem:v32+s3+$0x0], $0xffff;
	(xrf2) =	vadd.scan.msk.f32 $0xffff, v25  }
0x132: {  	v49 =	vld.idx.msk [tilespmem:v35+s3+$0x0], $0xffff;
	(xrf2) =	vadd.scan.msk.f32 $0xffff, v12  }
0x133: {  	vm2 =	vne.s32 v9, v8;
	v31 =	vld.idx.msk [tilespmem:v31+s3+$0x0], $0xffff  }
0x134: {  	vm3 =	vmor vm2, vm0;
	v30 =	vld.idx.msk [tilespmem:v30+s3+$0x0], $0xffff  }
0x135: {  	vm2 =	vmand vm2, vm15;
	v29 =	vld.idx.msk [tilespmem:v29+s3+$0x0], $0xffff;
	(xrf2) =	vadd.scan.msk.f32 $0xffff, v47  }
0x136: {  	v51 =	vnsel vm2, $0x0, v8;
	v8 =	vld.idx.msk [tilespmem:v50+s3+$0x0], $0xffff  }
0x137: {  	vm5 =	vne.s32 v27, v26;
	v55 =	vld.idx.msk [tilespmem:v36+s3+$0x0], $0xffff  }
0x138: {  	vm6 =	vmor vm5, vm0;
	v24 =	vld.idx.msk [tilespmem:v46+s3+$0x0], $0xffff  }
0x139: {  	vm4 =	vne.s32 v23, v45;
	vm7 =	vne.s32 v44, v19;
	vm5 =	vmand vm5, vm15;
	v12 =	vld.idx.msk [tilespmem:v48+s3+$0x0], $0xffff;
	v38, _, _ =	vpop (xrf2)  }
0x13a: {  	v26 =	vnsel vm5, $0x0, v26;
	(xrf2) =	vadd.scan.msk.f32 $0xffff, v11;
	[tilespmem:v9+s25+$0x0] =	vst.idx.add.f32.msk vm3, v38;
	vm3 =	vmor vm4, vm0  }
0x13b: {  	vm8 =	vmor vm7, vm0;
	v11 =	vld.idx.msk [tilespmem:v28+s3+$0x0], $0xffff;
	v52, _, _ =	vpop (xrf2);
	v53 =	vsub.f32 $0.0e+00, v38  }
0x13c: {  	vm7 =	vmand vm7, vm15;
	v9 =	vld.idx.msk [tilespmem:v34+s3+$0x0], $0xffff;
	(xrf2) =	vadd.scan.msk.f32 $0xffff, v37;
	v54, _, _ =	vpop (xrf2)  }
0x13d: {  	v19 =	vnsel vm7, $0x0, v19;
	(xrf2) =	vadd.scan.msk.f32 $0xffff, v49;
	[tilespmem:v51+s25+$0x0] =	vst.idx.add.f32.msk vm2, v53;
	v56 =	vsub.f32 $0.0e+00, v54  }
0x13e: {  	vm2 =	vmand vm4, vm15;
	[tilespmem:v27+s25+$0x0] =	vst.idx.add.f32.msk vm6, v54  }
0x13f: {  	v57, _, _ =	vpop (xrf2);
	vm4 =	vne.s32 v17, v16;
	v22 =	vnsel vm2, $0x0, v45;
	[tilespmem:v26+s25+$0x0] =	vst.idx.add.f32.msk vm5, v56  }
0x140: {  	v58 =	vsub.f32 $0.0e+00, v57;
	vm5 =	vmor vm4, vm0;
	[tilespmem:v23+s25+$0x0] =	vst.idx.add.f32.msk vm3, v52;
	vm3 =	vne.s32 v20, v18  }
0x141: {  	[tilespmem:v44+s25+$0x0] =	vst.idx.add.f32.msk vm8, v57;
	vm6 =	vmor vm3, vm0  }
0x142: {  	v59 =	vsub.f32 $0.0e+00, v52;
	(xrf2) =	vadd.scan.msk.f32 $0xffff, v24;
	vm4 =	vmand vm4, vm15;
	[tilespmem:v19+s25+$0x0] =	vst.idx.add.f32.msk vm7, v58  }
0x143: {  	vm7 =	vne.s32 v15, v13;
	v19 =	vld [tilespmem:s16+$0xFFFFFFB0];
	v16 =	vnsel vm4, $0x0, v16  }
0x144: {  	vm3 =	vmand vm3, vm15;
	[tilespmem:v22+s25+$0x0] =	vst.idx.add.f32.msk vm2, v59;
	vm2 =	vmor vm7, vm0;
	v61, _, _ =	vpop (xrf2);
	(xrf2) =	vadd.scan.msk.f32 $0xffff, v31  }
0x145: {  	v60 =	vnsel vm3, $0x0, v18;
	v18 =	vld [tilespmem:s16+$0xFFFFFFAF];
	vm7 =	vmand vm7, vm15  }
0x146: {  	vm8 =	vne.s32 v14, v10;
	v63 =	vnsel vm7, $0x0, v13;
	v62, _, _ =	vpop (xrf2);
	[tilespmem:v17+s25+$0x0] =	vst.idx.add.f32.msk vm5, v61;
	v13 =	vsub.f32 $0.0e+00, v61  }
0x147: {  	v17, _, _ =	vpop (xrf2);
	(xrf2) =	vadd.scan.msk.f32 $0xffff, v55;
	[tilespmem:v20+s25+$0x0] =	vst.idx.add.f32.msk vm6, v62;
	vm6 =	vmor vm8, vm0  }
0x148: {  	[tilespmem:v16+s25+$0x0] =	vst.idx.add.f32.msk vm4, v13  }
0x149: {  	vm5 =	vmand vm8, vm15;
	v13 =	vld [tilespmem:s16+$0xFFFFFF8F];
	v20 =	vsub.f32 $0.0e+00, v62  }
0x14a: {  	v16 =	vsub.f32 $0.0e+00, v17;
	(xrf2) =	vadd.scan.msk.f32 $0xffff, v29;
	[tilespmem:v15+s25+$0x0] =	vst.idx.add.f32.msk vm2, v17;
	v15 =	vnsel vm5, $0x0, v10  }
0x14b: {  	[tilespmem:v60+s25+$0x0] =	vst.idx.add.f32.msk vm3, v20  }
0x14c: {  	vm4 =	vne.s32 v18, v19;
	vm2 =	vne.s32 v5, v3;
	v10, _, _ =	vpop (xrf2);
	[tilespmem:v63+s25+$0x0] =	vst.idx.add.f32.msk vm7, v16  }
0x14d: {  	s18 =	simm.s32 $0x2000;
	s19 =	simm.s32 $0xA171;
	(xrf2) =	vadd.scan.msk.f32 $0xffff, v30;
	vm3 =	vne.s32 v6, v7;
	[tilespmem:v14+s25+$0x0] =	vst.idx.add.f32.msk vm6, v10;
	v10 =	vsub.f32 $0.0e+00, v10  }
.LBB2_6:
0x14e: {  	s18 =	sadd.s32 $0x100, s18;
	v14 =	vld [tilespmem:s16+$0xFFFFFF4F];
	s19 =	sadd.s32 $0x100, s19;
	s17 =	sadd.s32 $0x100, s17;
	v16, _, _ =	vpop (xrf2)  }
0x14f: {  	vm6 =	vmor vm4, vm0;
	p0 =	slt.u32 s18, $0x3F00;
	[tilespmem:v15+s25+$0x0] =	vst.idx.add.f32.msk vm5, v10  }
0x150: {  	vm7 =	vmor vm3, vm0;
	v10 =	vld [tilespmem:s16+$0xFFFFFF2F];
	(xrf2) =	vadd.scan.msk.f32 $0xffff, v12  }
0x151: {  	vm8 =	vmand vm3, vm15;
	vm5 =	vne.s32 v13, v4;
	v12 =	vld [tilespmem:s16+$0xFFFFFF40];
	v15, _, _ =	vpop (xrf2)  }
0x152: {  	v7 =	vnsel vm8, $0x0, v7;
	vm9 =	vmor vm5, vm0;
	v17 =	vld [tilespmem:s16+$0xFFFFFF3F]  }
0x153: {  	vm11 =	vmor vm2, vm0;
	vm10 =	vne.s32 v14, v2;
	v20 =	vld [tilespmem:s16+$0xFFFFFF80];
	(xrf2) =	vadd.scan.msk.f32 $0xffff, v11  }
0x154: {  	vm12 =	vmand vm4, vm15;
	v11 =	vld [tilespmem:s16+$0xFFFFFF7F];
	v21, _, _ =	vpop (xrf2);
	s16 =	smov.u32 s19  }
0x155: {  	vm13 =	vmor vm10, vm0;
	v22 =	vsub.f32 $0.0e+00, v21;
	[tilespmem:v18+s25+$0x0] =	vst.idx.add.f32.msk vm6, v15;
	v18 =	vnsel vm12, $0x0, v19  }
0x156: {  	vm3 =	vne.s32 v10, v1;
	vm6 =	vmand vm2, vm15;
	[tilespmem:v6+s25+$0x0] =	vst.idx.add.f32.msk vm7, v21;
	(xrf2) =	vadd.scan.msk.f32 $0xffff, v9  }
0x157: {  	v3 =	vnsel vm6, $0x0, v3;
	vm4 =	vne.s32 v17, v12;
	[tilespmem:v7+s25+$0x0] =	vst.idx.add.f32.msk vm8, v22;
	v6, _, _ =	vpop (xrf2)  }
0x158: {  	vm2 =	vmand vm10, vm15;
	v7 =	vsub.f32 $0.0e+00, v15;
	[tilespmem:v13+s25+$0x0] =	vst.idx.add.f32.msk vm9, v16  }
0x159: {  	vm5 =	vmand vm5, vm15;
	[tilespmem:v5+s25+$0x0] =	vst.idx.add.f32.msk vm11, v6;
	vm7 =	vne.s32 v11, v20;
	(xrf2) =	vadd.scan.msk.f32 $0xffff, v8  }
0x15a: {  	v4 =	vnsel vm5, $0x0, v4;
	v5 =	vsub.f32 $0.0e+00, v6;
	vm8 =	vmor vm7, vm0;
	[tilespmem:v18+s25+$0x0] =	vst.idx.add.f32.msk vm12, v7;
	v6, _, _ =	vpop (xrf2)  }
0x15b: {  	v2 =	vnsel vm2, $0x0, v2;
	vm7 =	vmand vm7, vm15;
	[tilespmem:v14+s25+$0x0] =	vst.idx.add.f32.msk vm13, v6;
	v6 =	vsub.f32 $0.0e+00, v6  }
0x15c: {  	v7 =	vsub.f32 $0.0e+00, v16;
	[tilespmem:v3+s25+$0x0] =	vst.idx.add.f32.msk vm6, v5;
	v5 =	vnsel vm7, $0x0, v20  }
0x15d: {  	v8 =	vld [tilespmem:s19+$0xFFFFFF30];
	v9, _, _ =	vpop (xrf2)  }
0x15e: {  	vm6 =	vmor vm4, vm0;
	v3 =	vld [tilespmem:s19+$0xFFFFFF70]  }
0x15f: {  	vm9 =	vmor vm3, vm0;
	v13 =	vsub.f32 $0.0e+00, v9;
	[tilespmem:v4+s25+$0x0] =	vst.idx.add.f32.msk vm5, v7  }
0x160: {  	vm3 =	vmand vm3, vm15;
	vm4 =	vmand vm4, vm15;
	[tilespmem:v11+s25+$0x0] =	vst.idx.add.f32.msk vm8, v9;
	v4, _, _ =	vpop (xrf2)  }
0x161: {  	v7 =	vnsel vm3, $0x0, v1;
	v9 =	vnsel vm4, $0x0, v12;
	[tilespmem:v2+s25+$0x0] =	vst.idx.add.f32.msk vm2, v6  }
0x162: {  	v2 =	vld [tilespmem:s19+$0xFFFFFF50];
	v1 =	vmov v8  }
0x163: {  	[tilespmem:v5+s25+$0x0] =	vst.idx.add.f32.msk vm7, v13;
	v5, _, _ =	vpop (xrf2)  }
0x164: {  	v6 =	vsub.f32 $0.0e+00, v5;
	[tilespmem:v17+s25+$0x0] =	vst.idx.add.f32.msk vm6, v4;
	v4 =	vsub.f32 $0.0e+00, v4  }
0x165: {  	[tilespmem:v10+s25+$0x0] =	vst.idx.add.f32.msk vm9, v5  }
0x166: {  	[tilespmem:v7+s25+$0x0] =	vst.idx.add.f32.msk vm3, v6  }
0x167: {  	[tilespmem:v9+s25+$0x0] =	vst.idx.add.f32.msk vm4, v4  }
0x168: {  	v5 =	vld [tilespmem:s19+$0xFFFFFF6F]  }
0x169: {  	v4 =	vld [tilespmem:s19+$0xFFFFFF90]  }
0x16a: {  	v7 =	vld [tilespmem:s19+$0xFFFFFF60]  }
0x16b: {  	v6 =	vld [tilespmem:s19+$0xFFFFFF5F]  }
0x16c: {  	v13 =	vld [tilespmem:s19+$0xFFFFFFA0]  }
0x16d: {  	vm2 =	vne.s32 v5, v3;
	v10 =	vld [tilespmem:s19+$0xFFFFFF9F]  }
0x16e: {  	v15 =	vld [tilespmem:s19+$0xFFFFFFC0]  }
0x16f: {  	v14 =	vld [tilespmem:s19+$0xFFFFFFBF]  }
0x170: {  	vm3 =	vne.s32 v6, v7;
	v18 =	vld [tilespmem:s19+$0xFFFFFFD0]  }
0x171: {  	v16 =	vld [tilespmem:s19+$0xFFFFFFCF]  }
0x172: {  	vm4 =	vne.s32 v10, v13;
	v19 =	vld [tilespmem:s19+$0xFFFFFFE0]  }
0x173: {  	v17 =	vld [tilespmem:s19+$0xFFFFFFDF]  }
0x174: {  	v20 =	vld [tilespmem:s19+$0xFFFFFF20];
	vm5 =	vne.s32 v14, v15  }
0x175: {  	v21 =	vld [tilespmem:s19+$0xFFFFFF1F]  }
0x176: {  	vm6 =	vne.s32 v16, v18;
	v22 =	vld [tilespmem:s19+$0x0]  }
0x177: {  	v23 =	vld [tilespmem:s19+$0xFFFFFFFF]  }
0x178: {  	v8 =	vld [tilespmem:s19+$0xFFFFFF10];
	vm7 =	vne.s32 v17, v19  }
0x179: {  	v9 =	vld [tilespmem:s19+$0xFFFFFF0F]  }
0x17a: {  	v11 =	vld [tilespmem:s17+$0xFFFFFFE0]  }
0x17b: {  	v12 =	vld [tilespmem:s17+$0xFFFFFFF0]  }
0x17c: {  	v24 =	vld [tilespmem:s17+$0xFFFFFF10];
	vm8 =	vne.s32 v23, v22  }
0x17d: {  	v25 =	vld [tilespmem:s17+$0x0]  }
0x17e: {  	vm9 =	vne.s32 v9, v8;
	v26 =	vld [tilespmem:s19+$0xFFFFFFF0]  }
0x17f: {  	v27 =	vld [tilespmem:s19+$0xFFFFFFEF]  }
0x180: {  	v28 =	vld [tilespmem:s17+$0xFFFFFF80]  }
0x181: {  	v29 =	vld [tilespmem:s17+$0xFFFFFF60]  }
0x182: {  	v30 =	vld [tilespmem:s17+$0xFFFFFF70]  }
0x183: {  	v31 =	vld [tilespmem:s17+$0xFFFFFF90]  }
0x184: {  	v24 =	vld.idx.msk [tilespmem:v24+s3+$0x0], $0xffff;
	vm10 =	vne.s32 v27, v26  }
0x185: {  	v25 =	vld.idx.msk [tilespmem:v25+s3+$0x0], $0xffff  }
0x186: {  	v32 =	vld [tilespmem:s17+$0xFFFFFFD0]  }
0x187: {  	v33 =	vld [tilespmem:s17+$0xFFFFFF20]  }
0x188: {  	v34 =	vld [tilespmem:s17+$0xFFFFFF40]  }
0x189: {  	v35 =	vld [tilespmem:s17+$0xFFFFFFC0]  }
0x18a: {  	v36 =	vld [tilespmem:s17+$0xFFFFFFB0];
	(xrf2) =	vadd.scan.msk.f32 $0xffff, v24  }
0x18b: {  	v24 =	vld [tilespmem:s17+$0xFFFFFFA0]  }
0x18c: {  	v12 =	vld.idx.msk [tilespmem:v12+s3+$0x0], $0xffff  }
0x18d: {  	v37 =	vld.idx.msk [tilespmem:v11+s3+$0x0], $0xffff  }
0x18e: {  	v11 =	vld.idx.msk [tilespmem:v32+s3+$0x0], $0xffff  }
0x18f: {  	vm11 =	vmor vm9, vm0;
	v32 =	vld.idx.msk [tilespmem:v33+s3+$0x0], $0xffff;
	(xrf2) =	vadd.scan.msk.f32 $0xffff, v25  }
0x190: {  	v25 =	vld [tilespmem:s17+$0xFFFFFF50]  }
0x191: {  	v33 =	vld.idx.msk [tilespmem:v35+s3+$0x0], $0xffff  }
0x192: {  	v35 =	vld [tilespmem:s17+$0xFFFFFF30];
	(xrf2) =	vadd.scan.msk.f32 $0xffff, v12  }
0x193: {  	v24 =	vld.idx.msk [tilespmem:v24+s3+$0x0], $0xffff  }
0x194: {  	v31 =	vld.idx.msk [tilespmem:v31+s3+$0x0], $0xffff;
	v38, _, _ =	vpop (xrf2)  }
0x195: {  	[tilespmem:v9+s25+$0x0] =	vst.idx.add.f32.msk vm11, v38;
	(xrf2) =	vadd.scan.msk.f32 $0xffff, v32  }
0x196: {  	vm11 =	vmor vm8, vm0;
	v30 =	vld.idx.msk [tilespmem:v30+s3+$0x0], $0xffff  }
0x197: {  	vm9 =	vmand vm9, vm15;
	v29 =	vld.idx.msk [tilespmem:v29+s3+$0x0], $0xffff  }
0x198: {  	v32 =	vnsel vm9, $0x0, v8;
	v12 =	vld.idx.msk [tilespmem:v25+s3+$0x0], $0xffff;
	(xrf2) =	vadd.scan.msk.f32 $0xffff, v11  }
0x199: {  	vm12 =	vmor vm10, vm0;
	v9 =	vld.idx.msk [tilespmem:v34+s3+$0x0], $0xffff;
	v25, _, _ =	vpop (xrf2)  }
0x19a: {  	vm13 =	vne.s32 v21, v20;
	vm10 =	vmand vm10, vm15;
	v8 =	vld.idx.msk [tilespmem:v35+s3+$0x0], $0xffff  }
0x19b: {  	vm14 =	vmor vm13, vm0;
	v26 =	vnsel vm10, $0x0, v26;
	v34 =	vsub.f32 $0.0e+00, v38;
	v11 =	vld.idx.msk [tilespmem:v28+s3+$0x0], $0xffff;
	(xrf2) =	vadd.scan.msk.f32 $0xffff, v37  }
0x19c: {  	vm13 =	vmand vm13, vm15;
	[tilespmem:v23+s25+$0x0] =	vst.idx.add.f32.msk vm11, v25;
	v23, _, _ =	vpop (xrf2)  }
0x19d: {  	v20 =	vnsel vm13, $0x0, v20;
	vm8 =	vmand vm8, vm15;
	[tilespmem:v32+s25+$0x0] =	vst.idx.add.f32.msk vm9, v34  }
0x19e: {  	v22 =	vnsel vm8, $0x0, v22;
	v32 =	vsub.f32 $0.0e+00, v23;
	v28 =	vld.idx.msk [tilespmem:v36+s3+$0x0], $0xffff;
	(xrf2) =	vadd.scan.msk.f32 $0xffff, v33  }
0x19f: {  	[tilespmem:v27+s25+$0x0] =	vst.idx.add.f32.msk vm12, v23;
	v23, _, _ =	vpop (xrf2)  }
0x1a0: {  	vm9 =	vmor vm7, vm0;
	v27 =	vsub.f32 $0.0e+00, v23;
	[tilespmem:v26+s25+$0x0] =	vst.idx.add.f32.msk vm10, v32  }
0x1a1: {  	vm10 =	vmor vm6, vm0;
	[tilespmem:v21+s25+$0x0] =	vst.idx.add.f32.msk vm14, v23;
	v21 =	vsub.f32 $0.0e+00, v25;
	(xrf2) =	vadd.scan.msk.f32 $0xffff, v24  }
0x1a2: {  	vm7 =	vmand vm7, vm15;
	[tilespmem:v20+s25+$0x0] =	vst.idx.add.f32.msk vm13, v27;
	v20, _, _ =	vpop (xrf2)  }
0x1a3: {  	vm6 =	vmand vm6, vm15;
	v23 =	vnsel vm7, $0x0, v19;
	[tilespmem:v22+s25+$0x0] =	vst.idx.add.f32.msk vm8, v21  }
0x1a4: {  	vm8 =	vmor vm5, vm0;
	v21 =	vnsel vm6, $0x0, v18;
	v19 =	vld [tilespmem:s19+$0xFFFFFFB0];
	(xrf2) =	vadd.scan.msk.f32 $0xffff, v31  }
0x1a5: {  	v18 =	vld [tilespmem:s19+$0xFFFFFFAF];
	v22, _, _ =	vpop (xrf2)  }
0x1a6: {  	vm11 =	vmor vm4, vm0;
	vm12 =	vmand vm5, vm15;
	[tilespmem:v17+s25+$0x0] =	vst.idx.add.f32.msk vm9, v22;
	v17 =	vsub.f32 $0.0e+00, v22  }
0x1a7: {  	v22 =	vnsel vm12, $0x0, v15;
	v15 =	vsub.f32 $0.0e+00, v20;
	[tilespmem:v16+s25+$0x0] =	vst.idx.add.f32.msk vm10, v20;
	(xrf2) =	vadd.scan.msk.f32 $0xffff, v28  }
0x1a8: {  	[tilespmem:v23+s25+$0x0] =	vst.idx.add.f32.msk vm7, v17;
	v16, _, _ =	vpop (xrf2)  }
.Ltmp2:
0x1a9: {  	vm5 =	vmand vm4, vm15;
	[tilespmem:v21+s25+$0x0] =	vst.idx.add.f32.msk vm6, v15;
	(pc) =	sbr.rel @p0 .LBB2_6-.Ltmp2, $4  }
0x1aa: {  	v15 =	vnsel vm5, $0x0, v13;
	[tilespmem:v14+s25+$0x0] =	vst.idx.add.f32.msk vm8, v16;
	v14 =	vsub.f32 $0.0e+00, v16;
	(xrf2) =	vadd.scan.msk.f32 $0xffff, v29  }
0x1ab: {  	vm4 =	vne.s32 v18, v19;
	v13 =	vld [tilespmem:s19+$0xFFFFFF8F];
	v16, _, _ =	vpop (xrf2)  }
0x1ac: {  	[tilespmem:v22+s25+$0x0] =	vst.idx.add.f32.msk vm12, v14  }
0x1ad: {  	[tilespmem:v10+s25+$0x0] =	vst.idx.add.f32.msk vm11, v16;
	v10 =	vsub.f32 $0.0e+00, v16;
	(xrf2) =	vadd.scan.msk.f32 $0xffff, v30  }
0x1ae: {  	_ =	sdelay $0x3  }
0x1af: {  	v14 =	vld [tilespmem:s16+$0xFFFFFF4F]  }
0x1b0: {  	[tilespmem:v15+s25+$0x0] =	vst.idx.add.f32.msk vm5, v10;
	vm5 =	vmor vm4, vm0  }
0x1b1: {  	vm6 =	vmor vm3, vm0;
	(xrf2) =	vadd.scan.msk.f32 $0xffff, v12;
	v12 =	vld [tilespmem:s16+$0xFFFFFF80]  }
0x1b2: {  	vm3 =	vmand vm3, vm15;
	v16 =	vld [tilespmem:s16+$0xFFFFFF7F];
	vm7 =	vne.s32 v13, v4  }
0x1b3: {  	v17 =	vld [tilespmem:s16+$0xFFFFFF40];
	v15, _, _ =	vpop (xrf2);
	v7 =	vnsel vm3, $0x0, v7;
	vm8 =	vmor vm7, vm0  }
0x1b4: {  	vm10 =	vmor vm2, vm0;
	v10 =	vld [tilespmem:s16+$0xFFFFFF2F];
	(xrf2) =	vadd.scan.msk.f32 $0xffff, v11;
	v20, _, _ =	vpop (xrf2)  }
0x1b5: {  	vm2 =	vmand vm2, vm15;
	v11 =	vld [tilespmem:s16+$0xFFFFFF3F];
	vm4 =	vmand vm4, vm15;
	vm9 =	vne.s32 v14, v2;
	v21, _, _ =	vpop (xrf2)  }
0x1b6: {  	v53 =	vnsel vm4, $0x0, v19;
	vm11 =	vmor vm9, vm0;
	v22 =	vsub.f32 $0.0e+00, v21;
	[tilespmem:v18+s25+$0x0] =	vst.idx.add.f32.msk vm5, v20  }
0x1b7: {  	v3 =	vnsel vm2, $0x0, v3;
	(xrf2) =	vadd.scan.msk.f32 $0xffff, v9;
	[tilespmem:v6+s25+$0x0] =	vst.idx.add.f32.msk vm6, v21  }
0x1b8: {  	(xrf2) =	vadd.scan.msk.f32 $0xffff, v8;
	vm9 =	vmand vm9, vm15;
	vm5 =	vmand vm7, vm15;
	[tilespmem:v7+s25+$0x0] =	vst.idx.add.f32.msk vm3, v22  }
0x1b9: {  	v4 =	vnsel vm5, $0x0, v4;
	vm3 =	vne.s32 v16, v12;
	v6, _, _ =	vpop (xrf2);
	[tilespmem:v13+s25+$0x0] =	vst.idx.add.f32.msk vm8, v15;
	v7 =	vsub.f32 $0.0e+00, v20  }
0x1ba: {  	v2 =	vnsel vm9, $0x0, v2;
	vm6 =	vmor vm3, vm0;
	[tilespmem:v5+s25+$0x0] =	vst.idx.add.f32.msk vm10, v6;
	v5 =	vsub.f32 $0.0e+00, v6  }
0x1bb: {  	v8 =	vsub.f32 $0.0e+00, v15;
	vm8 =	vne.s32 v11, v17;
	v6, _, _ =	vpop (xrf2);
	vm3 =	vmand vm3, vm15;
	[tilespmem:v53+s25+$0x0] =	vst.idx.add.f32.msk vm4, v7  }
0x1bc: {  	vm7 =	vne.s32 v10, v1;
	v7 =	vnsel vm3, $0x0, v12;
	vm4 =	vmor vm8, vm0;
	[tilespmem:v14+s25+$0x0] =	vst.idx.add.f32.msk vm11, v6  }
0x1bd: {  	[tilespmem:v3+s25+$0x0] =	vst.idx.add.f32.msk vm2, v5;
	vm2 =	vmor vm7, vm0;
	v3 =	vsub.f32 $0.0e+00, v6  }
0x1be: {  	[tilespmem:v4+s25+$0x0] =	vst.idx.add.f32.msk vm5, v8;
	vm5 =	vmand vm7, vm15;
	vm7 =	vmand vm8, vm15;
	v5, _, _ =	vpop (xrf2)  }
0x1bf: {  	v6 =	vnsel vm7, $0x0, v17;
	[tilespmem:v2+s25+$0x0] =	vst.idx.add.f32.msk vm9, v3;
	v4 =	vsub.f32 $0.0e+00, v5  }
0x1c0: {  	v1 =	vnsel vm5, $0x0, v1;
	[tilespmem:v16+s25+$0x0] =	vst.idx.add.f32.msk vm6, v5  }
0x1c1: {  	v5, _, _ =	vpop (xrf2);
	[tilespmem:v7+s25+$0x0] =	vst.idx.add.f32.msk vm3, v4  }
0x1c2: {  	v2, _, _ =	vpop (xrf2);
	[tilespmem:v11+s25+$0x0] =	vst.idx.add.f32.msk vm4, v5;
	v4 =	vsub.f32 $0.0e+00, v5  }
0x1c3: {  	v3 =	vsub.f32 $0.0e+00, v2;
	[tilespmem:v10+s25+$0x0] =	vst.idx.add.f32.msk vm2, v2  }
0x1c4: {  	[tilespmem:v6+s25+$0x0] =	vst.idx.add.f32.msk vm7, v4  }
0x1c5: {  	[tilespmem:v1+s25+$0x0] =	vst.idx.add.f32.msk vm5, v3  }
0x1c6: {  	_ =	swait.ge [sflag:s29], $0x2000  }
0x1c7: {  	[sflag:s29] =	ssyncset.done $0x0  }
0x1c8: {  	[sflag:s29] =	ssyncadd.s32 $0xFFFFE000  }
0x1c9: {  	_ =	swait.ge [sflag:s30], $0x2000  }
0x1ca: {  	[sflag:s30] =	ssyncset.done $0x0  }
0x1cb: {  	s17 =	simm.s32 $0x0;
	[sflag:s30] =	ssyncadd.s32 $0xFFFFE000  }
0x1cc: {  	v2 =	vld [tilespmem:s17+$0xC140]  }
0x1cd: {  	v3 =	vld [tilespmem:s17+$0xC0D0]  }
0x1ce: {  	v4 =	vld [tilespmem:s17+$0xC130]  }
0x1cf: {  	v1 =	vld [tilespmem:s17+$0xC131]  }
0x1d0: {  	v5 =	vld [tilespmem:s17+$0xC100]  }
0x1d1: {  	v6 =	vld [tilespmem:s17+$0xC101]  }
0x1d2: {  	v7 =	vld [tilespmem:s17+$0xC0A0]  }
0x1d3: {  	v8 =	vld [tilespmem:s17+$0xC0A1]  }
0x1d4: {  	v9 =	vld [tilespmem:s17+$0xC141]  }
0x1d5: {  	v10 =	vld [tilespmem:s17+$0x40A0]  }
0x1d6: {  	v11 =	vld [tilespmem:s17+$0x4090]  }
0x1d7: {  	v12 =	vld [tilespmem:s17+$0x4130]  }
0x1d8: {  	v13 =	vld [tilespmem:s17+$0xC090]  }
0x1d9: {  	v14 =	vld [tilespmem:s17+$0xC080]  }
0x1da: {  	v15 =	vld [tilespmem:s17+$0x40D0]  }
0x1db: {  	v54 =	vld [tilespmem:s17+$0x40C0]  }
0x1dc: {  	v55 =	vld [tilespmem:s17+$0xC091]  }
0x1dd: {  	v56 =	vld [tilespmem:s17+$0xC0D1]  }
0x1de: {  	v57 =	vld [tilespmem:s17+$0x4080]  }
0x1df: {  	v10 =	vld.idx.msk [tilespmem:v10+s3+$0x0], $0xffff  }
0x1e0: {  	v58 =	vld [tilespmem:s17+$0x40B0]  }
0x1e1: {  	v11 =	vld.idx.msk [tilespmem:v11+s3+$0x0], $0xffff  }
0x1e2: {  	v59 =	vld [tilespmem:s17+$0x4140]  }
0x1e3: {  	v60 =	vld [tilespmem:s17+$0xC0E0]  }
0x1e4: {  	(xrf2) =	vadd.scan.msk.f32 $0xffff, v10;
	v10 =	vld [tilespmem:s17+$0x40E0]  }
0x1e5: {  	v23 =	vld [tilespmem:s17+$0xC0B1]  }
0x1e6: {  	v24 =	vld [tilespmem:s17+$0x4100];
	(xrf2) =	vadd.scan.msk.f32 $0xffff, v11  }
0x1e7: {  	v15 =	vld.idx.msk [tilespmem:v15+s3+$0x0], $0xffff  }
0x1e8: {  	v25 =	vld [tilespmem:s17+$0xC0B0]  }
0x1e9: {  	v12 =	vld.idx.msk [tilespmem:v12+s3+$0x0], $0xffff  }
0x1ea: {  	vm2 =	vne.s32 v13, v55;
	v20 =	vld.idx.msk [tilespmem:v58+s3+$0x0], $0xffff  }
0x1eb: {  	vm3 =	vmor vm2, vm0;
	v21 =	vld.idx.msk [tilespmem:v59+s3+$0x0], $0xffff  }
0x1ec: {  	(xrf2) =	vadd.scan.msk.f32 $0xffff, v15;
	v10 =	vld.idx.msk [tilespmem:v10+s3+$0x0], $0xffff  }
0x1ed: {  	v62 =	vld [tilespmem:s17+$0xC081];
	vm4 =	vne.s32 v7, v8  }
0x1ee: {  	vm7 =	vmor vm4, vm0;
	v19 =	vld.idx.msk [tilespmem:v57+s3+$0x0], $0xffff;
	(xrf2) =	vadd.scan.msk.f32 $0xffff, v12  }
0x1ef: {  	v11 =	vld [tilespmem:s17+$0xC0E1];
	(xrf2) =	vadd.scan.msk.f32 $0xffff, v20;
	v61, _, _ =	vpop (xrf2)  }
0x1f0: {  	vm6 =	vmand vm2, vm15;
	vm8 =	vmand vm4, vm15;
	vm4 =	vne.s32 v3, v56;
	v15 =	vld.idx.msk [tilespmem:v54+s3+$0x0], $0xffff;
	(xrf2) =	vadd.scan.msk.f32 $0xffff, v21;
	v12, _, _ =	vpop (xrf2)  }
0x1f1: {  	v17 =	vnsel vm6, $0x0, v55;
	vm9 =	vmor vm4, vm0;
	[tilespmem:v13+s25+$0x0] =	vst.idx.add.f32.msk vm3, v12;
	(xrf2) =	vadd.scan.msk.f32 $0xffff, v10  }
0x1f2: {  	vm5 =	vne.s32 v2, v9;
	vm3 =	vne.s32 v4, v1;
	v10 =	vld.idx.msk [tilespmem:v24+s3+$0x0], $0xffff  }
0x1f3: {  	v63 =	vld [tilespmem:s17+$0xC0C0];
	vm2 =	vne.s32 v25, v23;
	v8 =	vnsel vm8, $0x0, v8;
	vm10 =	vmor vm3, vm0  }
0x1f4: {  	vm12 =	vmor vm2, vm0;
	[tilespmem:v7+s25+$0x0] =	vst.idx.add.f32.msk vm7, v61;
	v12 =	vsub.f32 $0.0e+00, v12;
	(xrf2) =	vadd.scan.msk.f32 $0xffff, v19  }
0x1f5: {  	vm13 =	vmor vm5, vm0;
	vm11 =	vne.s32 v60, v11;
	v13 =	vld [tilespmem:s17+$0xC0C1]  }
0x1f6: {  	vm7 =	vmor vm11, vm0;
	v7, _, _ =	vpop (xrf2);
	[tilespmem:v17+s25+$0x0] =	vst.idx.add.f32.msk vm6, v12;
	v12 =	vsub.f32 $0.0e+00, v61;
	(xrf2) =	vadd.scan.msk.f32 $0xffff, v15  }
0x1f7: {  	[tilespmem:v3+s25+$0x0] =	vst.idx.add.f32.msk vm9, v7;
	(xrf2) =	vadd.scan.msk.f32 $0xffff, v10  }
0x1f8: {  	vm9 =	vne.s32 v14, v62;
	[tilespmem:v8+s25+$0x0] =	vst.idx.add.f32.msk vm8, v12;
	v8, _, _ =	vpop (xrf2);
	vm8 =	vmand vm11, vm15  }
0x1f9: {  	v3, _, _ =	vpop (xrf2);
	[tilespmem:v4+s25+$0x0] =	vst.idx.add.f32.msk vm10, v8;
	v4 =	vnsel vm8, $0x0, v11;
	vm10 =	vmor vm9, vm0  }
0x1fa: {  	v10, _, _ =	vpop (xrf2);
	[tilespmem:v25+s25+$0x0] =	vst.idx.add.f32.msk vm12, v3  }
0x1fb: {  	vm12 =	vne.s32 v5, v6;
	[tilespmem:v2+s25+$0x0] =	vst.idx.add.f32.msk vm13, v10;
	vm9 =	vmand vm9, vm15;
	v2, _, _ =	vpop (xrf2)  }
0x1fc: {  	v11 =	vnsel vm9, $0x0, v62;
	[tilespmem:v60+s25+$0x0] =	vst.idx.add.f32.msk vm7, v2;
	vm7 =	vmor vm12, vm0;
	v2 =	vsub.f32 $0.0e+00, v2  }
0x1fd: {  	vm5 =	vmand vm5, vm15;
	v12 =	vld [tilespmem:s17+$0x4120]  }
0x1fe: {  	[tilespmem:v4+s25+$0x0] =	vst.idx.add.f32.msk vm8, v2;
	v2 =	vnsel vm5, $0x0, v9;
	v4, _, _ =	vpop (xrf2)  }
0x1ff: {  	[tilespmem:v14+s25+$0x0] =	vst.idx.add.f32.msk vm10, v4;
	v4 =	vsub.f32 $0.0e+00, v4  }
0x200: {  	vm8 =	vmand vm12, vm15;
	v9, _, _ =	vpop (xrf2);
	v14 =	vld [tilespmem:s17+$0x4160]  }
0x201: {  	[tilespmem:v11+s25+$0x0] =	vst.idx.add.f32.msk vm9, v4;
	v4 =	vnsel vm8, $0x0, v6;
	v6 =	vsub.f32 $0.0e+00, v10;
	v10, _, _ =	vpop (xrf2)  }
0x202: {  	[tilespmem:v5+s25+$0x0] =	vst.idx.add.f32.msk vm7, v10  }
0x203: {  	vm6 =	vne.s32 v63, v13;
	[tilespmem:v2+s25+$0x0] =	vst.idx.add.f32.msk vm5, v6  }
0x204: {  	vm11 =	vmor vm6, vm0;
	v2 =	vld [tilespmem:s17+$0x4110]  }
0x205: {  	v5 =	vsub.f32 $0.0e+00, v10;
	v6 =	vld.idx.msk [tilespmem:v12+s3+$0x0], $0xffff;
	vm5 =	vmand vm6, vm15  }
0x206: {  	v10 =	vnsel vm5, $0x0, v13;
	v13 =	vld [tilespmem:s17+$0x4150]  }
0x207: {  	[tilespmem:v4+s25+$0x0] =	vst.idx.add.f32.msk vm8, v5  }
0x208: {  	v4 =	vld [tilespmem:s17+$0xC120]  }
0x209: {  	vm4 =	vmand vm4, vm15;
	v5 =	vld [tilespmem:s17+$0xC121]  }
0x20a: {  	[tilespmem:v63+s25+$0x0] =	vst.idx.add.f32.msk vm11, v9;
	v9 =	vsub.f32 $0.0e+00, v9;
	v12 =	vnsel vm4, $0x0, v56;
	(xrf2) =	vadd.scan.msk.f32 $0xffff, v6  }
0x20b: {  	v6 =	vld [tilespmem:s17+$0x40F0]  }
0x20c: {  	[tilespmem:v10+s25+$0x0] =	vst.idx.add.f32.msk vm5, v9  }
0x20d: {  	v7 =	vsub.f32 $0.0e+00, v7;
	v9 =	vld [tilespmem:s17+$0x4170]  }
0x20e: {  	v2 =	vld.idx.msk [tilespmem:v2+s3+$0x0], $0xffff;
	vm5 =	vne.s32 v4, v5  }
0x20f: {  	[tilespmem:v12+s25+$0x0] =	vst.idx.add.f32.msk vm4, v7;
	vm4 =	vmor vm5, vm0  }
0x210: {  	v11 =	vld [tilespmem:s17+$0xC111]  }
0x211: {  	v12 =	vld.idx.msk [tilespmem:v13+s3+$0x0], $0xffff  }
0x212: {  	v7 =	vld [tilespmem:s17+$0xC110];
	vm5 =	vmand vm5, vm15  }
0x213: {  	vm3 =	vmand vm3, vm15;
	v10 =	vld [tilespmem:s17+$0xC151];
	v5 =	vnsel vm5, $0x0, v5;
	(xrf2) =	vadd.scan.msk.f32 $0xffff, v2  }
0x214: {  	v1 =	vnsel vm3, $0x0, v1;
	v13 =	vld [tilespmem:s17+$0xC150];
	v2, _, _ =	vpop (xrf2)  }
0x215: {  	[tilespmem:v4+s25+$0x0] =	vst.idx.add.f32.msk vm4, v2  }
0x216: {  	(xrf2) =	vadd.scan.msk.f32 $0xffff, v12;
	v15 =	vsub.f32 $0.0e+00, v2;
	v4 =	vld.idx.msk [tilespmem:v9+s3+$0x0], $0xffff  }
0x217: {  	vm2 =	vmand vm2, vm15;
	v6 =	vld.idx.msk [tilespmem:v6+s3+$0x0], $0xffff;
	vm4 =	vne.s32 v7, v11;
	v2 =	vsub.f32 $0.0e+00, v8  }
0x218: {  	v8 =	vnsel vm2, $0x0, v23;
	[tilespmem:v5+s25+$0x0] =	vst.idx.add.f32.msk vm5, v15;
	vm5 =	vmor vm4, vm0  }
0x219: {  	v3 =	vsub.f32 $0.0e+00, v3;
	[tilespmem:v1+s25+$0x0] =	vst.idx.add.f32.msk vm3, v2  }
0x21a: {  	v1 =	vld [tilespmem:s17+$0xC171]  }
0x21b: {  	v2 =	vld [tilespmem:s17+$0xC170];
	vm3 =	vmand vm4, vm15;
	(xrf2) =	vadd.scan.msk.f32 $0xffff, v4  }
0x21c: {  	v5 =	vld [tilespmem:s17+$0xC0F1];
	v4 =	vnsel vm3, $0x0, v11  }
0x21d: {  	[tilespmem:v8+s25+$0x0] =	vst.idx.add.f32.msk vm2, v3;
	vm2 =	vne.s32 v13, v10;
	v3, _, _ =	vpop (xrf2)  }
0x21e: {  	vm4 =	vmor vm2, vm0;
	[tilespmem:v7+s25+$0x0] =	vst.idx.add.f32.msk vm5, v3  }
0x21f: {  	v7 =	vld.idx.msk [tilespmem:v14+s3+$0x0], $0xffff;
	vm5 =	vmand vm2, vm15;
	v3 =	vsub.f32 $0.0e+00, v3  }
0x220: {  	v14 =	vld [tilespmem:s17+$0xC0F0];
	v9, _, _ =	vpop (xrf2);
	v8 =	vnsel vm5, $0x0, v10  }
0x221: {  	[tilespmem:v4+s25+$0x0] =	vst.idx.add.f32.msk vm3, v3;
	v3 =	vsub.f32 $0.0e+00, v9  }
0x222: {  	v11 =	vld [tilespmem:s17+$0xC161]  }
0x223: {  	vm2 =	vne.s32 v2, v1;
	v4 =	vld [tilespmem:s17+$0xC160]  }
0x224: {  	(xrf2) =	vadd.scan.msk.f32 $0xffff, v6;
	vm7 =	vmmov vm2;
	[tilespmem:v13+s25+$0x0] =	vst.idx.add.f32.msk vm4, v9  }
0x225: {  	s16 =	simm.s32 $0x4000;
	s17 =	simm.s32 $0x400;
	vm4 =	vmor vm7, vm0;
	(xrf2) =	vadd.scan.msk.f32 $0xffff, v7;
	vm3 =	vne.s32 v14, v5;
	[tilespmem:v8+s25+$0x0] =	vst.idx.add.f32.msk vm5, v3;
	v3, _, _ =	vpop (xrf2)  }
.LBB2_8:
0x226: {  	_ =	sdelay $0x4  }
0x227: {  	s18 =	sshra.s32 s17, $0x2;
	[tilespmem:v2+s25+$0x0] =	vst.idx.add.f32.msk vm4, v3  }
0x228: {  	v7 =	vld [tilespmem:s18+$0xC140]  }
0x229: {  	v13 =	vld [tilespmem:s18+$0xC0D0]  }
0x22a: {  	v15 =	vld [tilespmem:s18+$0xC171]  }
0x22b: {  	v12 =	vld [tilespmem:s18+$0xC130]  }
0x22c: {  	v16 =	vsub.f32 $0.0e+00, v3;
	v3 =	vld [tilespmem:s18+$0xC120]  }
0x22d: {  	v19 =	vld [tilespmem:s18+$0xC121]  }
0x22e: {  	v20 =	vld [tilespmem:s18+$0xC131]  }
0x22f: {  	v6 =	vld [tilespmem:s18+$0xC100]  }
0x230: {  	v23 =	vld [tilespmem:s18+$0xC101]  }
0x231: {  	v18 =	vld [tilespmem:s18+$0xC0A0]  }
0x232: {  	v24 =	vld [tilespmem:s18+$0xC0A1]  }
0x233: {  	v10 =	vld [tilespmem:s18+$0xC141]  }
0x234: {  	v25 =	vld [tilespmem:s18+$0x4130]  }
0x235: {  	v26 =	vld [tilespmem:s18+$0xC090]  }
0x236: {  	v27 =	vld [tilespmem:s18+$0x40A0]  }
0x237: {  	v28 =	vld [tilespmem:s18+$0x4090]  }
0x238: {  	v9 =	vld [tilespmem:s18+$0xC080]  }
0x239: {  	v29 =	vld [tilespmem:s18+$0x40C0]  }
0x23a: {  	v8 =	vld [tilespmem:s18+$0x40F0]  }
0x23b: {  	v30 =	vld [tilespmem:s18+$0x40D0]  }
0x23c: {  	v31 =	vld [tilespmem:s18+$0xC091]  }
0x23d: {  	v54 =	vld [tilespmem:s18+$0x4120]  }
0x23e: {  	v55 =	vld [tilespmem:s18+$0xC0D1]  }
0x23f: {  	v56 =	vld [tilespmem:s18+$0x4080]  }
0x240: {  	v57 =	vld [tilespmem:s18+$0x40B0];
	vm4 =	vne.s32 v4, v11  }
0x241: {  	v59 =	vld [tilespmem:s18+$0x40E0];
	vm5 =	vmor vm4, vm0  }
0x242: {  	v60 =	vld [tilespmem:s18+$0xC0E0];
	vm4 =	vmand vm4, vm15  }
0x243: {  	v61 =	vld [tilespmem:s18+$0x4140];
	v11 =	vnsel vm4, $0x0, v11  }
0x244: {  	v62 =	vld [tilespmem:s18+$0xC0E1];
	v17, _, _ =	vpop (xrf2)  }
0x245: {  	v63 =	vld [tilespmem:s18+$0xC0B1];
	v2, _, _ =	vpop (xrf2)  }
0x246: {  	v53 =	vld.idx.msk [tilespmem:v27+s3+$0x0], $0xffff;
	v22 =	vsub.f32 $0.0e+00, v2  }
0x247: {  	[tilespmem:v4+s25+$0x0] =	vst.idx.add.f32.msk vm5, v2  }
0x248: {  	[tilespmem:v11+s25+$0x0] =	vst.idx.add.f32.msk vm4, v22  }
0x249: {  	v11 =	vld.idx.msk [tilespmem:v28+s3+$0x0], $0xffff  }
0x24a: {  	v37 =	vld [tilespmem:s18+$0x4100]  }
0x24b: {  	v58 =	vld.idx.msk [tilespmem:v30+s3+$0x0], $0xffff  }
0x24c: {  	v40 =	vld [tilespmem:s18+$0xC0B0];
	vm5 =	vmor vm3, vm0  }
0x24d: {  	v41 =	vld [tilespmem:s18+$0xC0C1];
	(xrf2) =	vadd.scan.msk.f32 $0xffff, v53  }
0x24e: {  	v44 =	vld [tilespmem:s18+$0xC151];
	vm3 =	vmand vm3, vm15;
	(xrf2) =	vadd.scan.msk.f32 $0xffff, v11  }
0x24f: {  	v2 =	vld [tilespmem:s18+$0xC170];
	v5 =	vnsel vm3, $0x0, v5  }
0x250: {  	v45 =	vld [tilespmem:s18+$0xC081];
	(xrf2) =	vadd.scan.msk.f32 $0xffff, v58  }
0x251: {  	vm7 =	vmand vm7, vm15;
	v49 =	vld [tilespmem:s18+$0xC150]  }
0x252: {  	v21 =	vsub.f32 $0.0e+00, v17;
	vm8 =	vne.s32 v26, v31;
	[tilespmem:v14+s25+$0x0] =	vst.idx.add.f32.msk vm5, v17;
	v14 =	vnsel vm7, $0x0, v1  }
0x253: {  	v32 =	vimm.s32 $0x0;
	vm2 =	vmor vm8, vm0;
	v36 =	vld.idx.msk [tilespmem:v25+s3+$0x0], $0xffff;
	vm5 =	vne.s32 v18, v24  }
0x254: {  	vm4 =	vne.s32 v6, v23;
	vm6 =	vne.s32 v2, v15;
	vm10 =	vmand vm5, vm15;
	[tilespmem:v5+s25+$0x0] =	vst.idx.add.f32.msk vm3, v21  }
0x255: {  	vm1 =	vmmov vm6;
	vm11 =	vmor vm5, vm0;
	v5 =	vnsel vm10, $0x0, v24;
	v24 =	vld.idx.msk [tilespmem:v57+s3+$0x0], $0xffff  }
0x256: {  	v52 =	vld [tilespmem:s18+$0xC0C0];
	vm3 =	vmor vm4, vm0;
	vm5 =	vmand vm4, vm15;
	vm4 =	vne.s32 v3, v19  }
0x257: {  	v32 =	vsel vm1, $0xFFFFFFFF, v32;
	vm1 =	vmor vm4, vm0;
	[tilespmem:v14+s25+$0x0] =	vst.idx.add.f32.msk vm7, v16;
	v14 =	vimm.s32 $0x0;
	v33, _, _ =	vpop (xrf2)  }
0x258: {  	v38 =	vld.idx.msk [tilespmem:v59+s3+$0x0], $0xffff;
	vm4 =	vmand vm4, vm15;
	v14 =	vsel vm1, $0xFFFFFFFF, v14;
	vm1 =	vmand vm8, vm15;
	v34, _, _ =	vpop (xrf2);
	(xrf2) =	vadd.scan.msk.f32 $0xffff, v36  }
0x259: {  	[tilespmem:$0x1FFF0] =	vst v14;
	v14 =	vnsel vm4, $0x0, v19;
	v31 =	vnsel vm1, $0x0, v31;
	v19 =	vld.idx.msk [tilespmem:v61+s3+$0x0], $0xffff  }
0x25a: {  	v29 =	vld.idx.msk [tilespmem:v29+s3+$0x0], $0xffff;
	v42, _, _ =	vpop (xrf2);
	(xrf2) =	vadd.scan.msk.f32 $0xffff, v24  }
0x25b: {  	v50 =	vld.idx.msk [tilespmem:v37+s3+$0x0], $0xffff  }
0x25c: {  	[tilespmem:v26+s25+$0x0] =	vst.idx.add.f32.msk vm2, v34;
	v34 =	vsub.f32 $0.0e+00, v34  }
0x25d: {  	v21 =	vld.idx.msk [tilespmem:v56+s3+$0x0], $0xffff;
	vm7 =	vne.s32 v13, v55  }
0x25e: {  	vm14 =	vmor vm7, vm0;
	(xrf2) =	vadd.scan.msk.f32 $0xffff, v19;
	[tilespmem:v31+s25+$0x0] =	vst.idx.add.f32.msk vm1, v34;
	vm1 =	vne.s32 v40, v63  }
0x25f: {  	vm9 =	vne.s32 v12, v20;
	v4 =	vld [tilespmem:s18+$0xC111];
	(xrf2) =	vadd.scan.msk.f32 $0xffff, v38;
	vm2 =	vmor vm1, vm0  }
0x260: {  	vm12 =	vmor vm9, vm0;
	v53 =	vld [tilespmem:s18+$0x4110]  }
0x261: {  	v11 =	vld [tilespmem:s18+$0xC110];
	v43 =	vsub.f32 $0.0e+00, v33  }
0x262: {  	[tilespmem:v18+s25+$0x0] =	vst.idx.add.f32.msk vm11, v33;
	v47, _, _ =	vpop (xrf2);
	(xrf2) =	vadd.scan.msk.f32 $0xffff, v21  }
0x263: {  	vm13 =	vne.s32 v60, v62;
	vm9 =	vmand vm9, vm15;
	vm6 =	vmmov vm15;
	[tilespmem:v5+s25+$0x0] =	vst.idx.add.f32.msk vm10, v43  }
0x264: {  	vm7 =	vmand vm7, vm15;
	vm15 =	vne.s32 v7, v10;
	[tilespmem:v13+s25+$0x0] =	vst.idx.add.f32.msk vm14, v42;
	vm14 =	vmand vm13, vm6;
	v51, _, _ =	vpop (xrf2)  }
0x265: {  	vm10 =	vmand vm1, vm6;
	vm1 =	vmor vm15, vm0;
	[tilespmem:v40+s25+$0x0] =	vst.idx.add.f32.msk vm2, v51;
	vm2 =	vmor vm13, vm0  }
0x266: {  	[tilespmem:v12+s25+$0x0] =	vst.idx.add.f32.msk vm12, v47;
	vm12 =	vmand vm15, vm6;
	vm15 =	vne.s32 v9, v45;
	vm0 =	vcmask $0x3F3C  }
0x267: {  	v56 =	vld [tilespmem:s18+$0x4160];
	v12 =	vnsel vm14, $0x0, v62;
	vm0 =	vmor vm15, vm0  }
0x268: {  	v13 =	vld.idx.msk [tilespmem:v54+s3+$0x0], $0xffff;
	(xrf2) =	vadd.scan.msk.f32 $0xffff, v29;
	v54, _, _ =	vpop (xrf2)  }
0x269: {  	[tilespmem:$0x1FFE0] =	vst v32;
	v16 =	vnsel vm7, $0x0, v55;
	v55 =	vld [tilespmem:s18+$0x4150];
	v32, _, _ =	vpop (xrf2);
	(xrf2) =	vadd.scan.msk.f32 $0xffff, v50  }
0x26a: {  	v58 =	vld [tilespmem:s18+$0x4170];
	v57 =	vsub.f32 $0.0e+00, v32  }
0x26b: {  	[tilespmem:v60+s25+$0x0] =	vst.idx.add.f32.msk vm2, v32  }
0x26c: {  	[tilespmem:v12+s25+$0x0] =	vst.idx.add.f32.msk vm14, v57;
	v12, _, _ =	vpop (xrf2)  }
0x26d: {  	[tilespmem:v9+s25+$0x0] =	vst.idx.add.f32.msk vm0, v12  }
0x26e: {  	v46 =	vsub.f32 $0.0e+00, v42;
	v9 =	vld.idx.msk [tilespmem:v53+s3+$0x0], $0xffff  }
0x26f: {  	v5 =	vld [tilespmem:s18+$0xC0F1]  }
0x270: {  	[tilespmem:v16+s25+$0x0] =	vst.idx.add.f32.msk vm7, v46  }
0x271: {  	v1 =	vmov v15;
	v15 =	vnsel vm5, $0x0, v23;
	v59 =	vld.idx.msk [tilespmem:v55+s3+$0x0], $0xffff  }
0x272: {  	[tilespmem:v7+s25+$0x0] =	vst.idx.add.f32.msk vm1, v54;
	(xrf2) =	vadd.scan.msk.f32 $0xffff, v13;
	v60, _, _ =	vpop (xrf2)  }
0x273: {  	vm13 =	vmand vm15, vm6;
	v61 =	vsub.f32 $0.0e+00, v12;
	v12, _, _ =	vpop (xrf2);
	(xrf2) =	vadd.scan.msk.f32 $0xffff, v9;
	v9 =	vld [tilespmem:$0x1FFF0]  }
0x274: {  	vm1 =	vne.s32 v52, v41;
	vm15 =	vcmask $0x3F3C;
	[tilespmem:v6+s25+$0x0] =	vst.idx.add.f32.msk vm3, v12;
	v6 =	vsub.f32 $0.0e+00, v12  }
0x275: {  	v48 =	vnsel vm10, $0x0, v63;
	v63 =	vld.idx.msk [tilespmem:v58+s3+$0x0], $0xffff;
	v10 =	vnsel vm12, $0x0, v10;
	vm15 =	vmor vm1, vm15  }
0x276: {  	vm0 =	vmand vm1, vm6;
	[tilespmem:v15+s25+$0x0] =	vst.idx.add.f32.msk vm5, v6  }
0x277: {  	v13 =	vnsel vm0, $0x0, v41;
	v6 =	vld.idx.msk [tilespmem:v8+s3+$0x0], $0xffff  }
0x278: {  	v7 =	vsub.f32 $0.0e+00, v54;
	v18 =	vnsel vm13, $0x0, v45;
	v8 =	vld [tilespmem:$0x1FFE0];
	vm1 =	vnez.u8 v9  }
0x279: {  	v62 =	vld.idx.msk [tilespmem:v56+s3+$0x0], $0xffff  }
0x27a: {  	[tilespmem:v10+s25+$0x0] =	vst.idx.add.f32.msk vm12, v7;
	v21 =	vsub.f32 $0.0e+00, v60;
	(xrf2) =	vadd.scan.msk.f32 $0xffff, v59  }
0x27b: {  	v39 =	vnsel vm9, $0x0, v20;
	[tilespmem:v52+s25+$0x0] =	vst.idx.add.f32.msk vm15, v60  }
0x27c: {  	vm8 =	vne.s32 v11, v4;
	vm11 =	vne.s32 v49, v44;
	[tilespmem:v13+s25+$0x0] =	vst.idx.add.f32.msk vm0, v21;
	vm0 =	vcmask $0x3F3C;
	v7, _, _ =	vpop (xrf2)  }
0x27d: {  	[tilespmem:v18+s25+$0x0] =	vst.idx.add.f32.msk vm13, v61;
	vm0 =	vmor vm8, vm0;
	vm7 =	vnez.u8 v8;
	v8 =	vsub.f32 $0.0e+00, v7  }
0x27e: {  	vm2 =	vcmask $0x3F3C;
	(xrf2) =	vadd.scan.msk.f32 $0xffff, v63;
	[tilespmem:v3+s25+$0x0] =	vst.idx.add.f32.msk vm1, v7;
	v3 =	vsub.f32 $0.0e+00, v47  }
0x27f: {  	vm2 =	vmor vm11, vm2;
	[tilespmem:v14+s25+$0x0] =	vst.idx.add.f32.msk vm4, v8  }
0x280: {  	v7 =	vsub.f32 $0.0e+00, v51;
	vm1 =	vmand vm8, vm6;
	v14 =	vld [tilespmem:s18+$0xC0F0]  }
0x281: {  	v4 =	vnsel vm1, $0x0, v4;
	[tilespmem:v39+s25+$0x0] =	vst.idx.add.f32.msk vm9, v3  }
0x282: {  	s16 =	sadd.s32 $0x100, s16;
	vm5 =	vmand vm11, vm6;
	[tilespmem:v48+s25+$0x0] =	vst.idx.add.f32.msk vm10, v7;
	v3, _, _ =	vpop (xrf2)  }
0x283: {  	p0 =	slt.u32 s16, $0x5F00;
	(xrf2) =	vadd.scan.msk.f32 $0xffff, v6;
	v6 =	vnsel vm5, $0x0, v44;
	[tilespmem:v11+s25+$0x0] =	vst.idx.add.f32.msk vm0, v3  }
.Ltmp3:
0x284: {  	v7 =	vsub.f32 $0.0e+00, v3;
	v11 =	vld [tilespmem:s18+$0xC161];
	v3, _, _ =	vpop (xrf2);
	(pc) =	sbr.rel @p0 .LBB2_8-.Ltmp3, $4  }
0x285: {  	[tilespmem:v49+s25+$0x0] =	vst.idx.add.f32.msk vm2, v3  }
0x286: {  	[tilespmem:v4+s25+$0x0] =	vst.idx.add.f32.msk vm1, v7;
	v7 =	vsub.f32 $0.0e+00, v3  }
0x287: {  	vm15 =	vmmov vm6;
	vm0 =	vcmask $0x3F3C;
	v4 =	vld [tilespmem:s18+$0xC160]  }
0x288: {  	s17 =	sadd.s32 $0x400, s17;
	(xrf2) =	vadd.scan.msk.f32 $0xffff, v62;
	vm4 =	vmor vm7, vm0;
	vm3 =	vne.s32 v14, v5;
	v3, _, _ =	vpop (xrf2);
	[tilespmem:v6+s25+$0x0] =	vst.idx.add.f32.msk vm5, v7  }
0x289: {  	_ =	sdelay $0x2  }
0x28a: {  	vm1 =	vcmask $0x3F3C;
	vm2 =	vcmask $0x3F3C;
	vm5 =	vmand vm7, vm15  }
0x28b: {  	vm2 =	vmor vm3, vm2;
	v1 =	vnsel vm5, $0x0, v1;
	vm0 =	vne.s32 v4, v11  }
0x28c: {  	vm1 =	vmor vm0, vm1  }
0x28d: {  	vm0 =	vmand vm0, vm15  }
0x28e: {  	[tilespmem:v2+s25+$0x0] =	vst.idx.add.f32.msk vm4, v3;
	v3 =	vsub.f32 $0.0e+00, v3;
	vm3 =	vmand vm3, vm15;
	v6 =	vnsel vm0, $0x0, v11  }
0x28f: {  	v5 =	vnsel vm3, $0x0, v5;
	v7, _, _ =	vpop (xrf2)  }
0x290: {  	[tilespmem:v1+s25+$0x0] =	vst.idx.add.f32.msk vm5, v3;
	v2, _, _ =	vpop (xrf2)  }
0x291: {  	[tilespmem:v14+s25+$0x0] =	vst.idx.add.f32.msk vm2, v7;
	v8 =	vsub.f32 $0.0e+00, v2  }
0x292: {  	[tilespmem:v4+s25+$0x0] =	vst.idx.add.f32.msk vm1, v2;
	v2 =	vsub.f32 $0.0e+00, v7  }
0x293: {  	[tilespmem:v6+s25+$0x0] =	vst.idx.add.f32.msk vm0, v8  }
0x294: {  	[tilespmem:v5+s25+$0x0] =	vst.idx.add.f32.msk vm3, v2  }
0x295: {  	_ =	swait.ge [sflag:s31], $0x2000  }
0x296: {  	[sflag:s31] =	ssyncset.done $0x0  }
0x297: {  	[sflag:s31] =	ssyncadd.s32 $0xFFFFE000  }
0x298: {  	_ =	swait.ge [sflag:s0], $0x2000  }
0x299: {  	[sflag:s0] =	ssyncset.done $0x0  }
0x29a: {  	s17 =	simm.s32 $0x0;
	[sflag:s0] =	ssyncadd.s32 $0xFFFFE000  }
0x29b: {  	v2 =	vld [tilespmem:s17+$0xE140]  }
0x29c: {  	v3 =	vld [tilespmem:s17+$0xE0D0]  }
0x29d: {  	v4 =	vld [tilespmem:s17+$0xE130]  }
0x29e: {  	v1 =	vld [tilespmem:s17+$0xE131]  }
0x29f: {  	v5 =	vld [tilespmem:s17+$0xE100]  }
0x2a0: {  	v6 =	vld [tilespmem:s17+$0xE101]  }
0x2a1: {  	v7 =	vld [tilespmem:s17+$0xE0A0]  }
0x2a2: {  	v8 =	vld [tilespmem:s17+$0xE0A1]  }
0x2a3: {  	v9 =	vld [tilespmem:s17+$0xE141]  }
0x2a4: {  	v10 =	vld [tilespmem:s17+$0x60A0]  }
0x2a5: {  	v11 =	vld [tilespmem:s17+$0x6090]  }
0x2a6: {  	v12 =	vld [tilespmem:s17+$0x6130]  }
0x2a7: {  	v13 =	vld [tilespmem:s17+$0xE090]  }
0x2a8: {  	v14 =	vld [tilespmem:s17+$0xE080]  }
0x2a9: {  	v15 =	vld [tilespmem:s17+$0x60D0]  }
0x2aa: {  	v16 =	vld [tilespmem:s17+$0x60C0]  }
0x2ab: {  	v17 =	vld [tilespmem:s17+$0xE091]  }
0x2ac: {  	v18 =	vld [tilespmem:s17+$0xE0D1]  }
0x2ad: {  	v19 =	vld [tilespmem:s17+$0x6080]  }
0x2ae: {  	v10 =	vld.idx.msk [tilespmem:v10+s3+$0x0], $0xffff  }
0x2af: {  	v11 =	vld.idx.msk [tilespmem:v11+s3+$0x0], $0xffff  }
0x2b0: {  	v20 =	vld [tilespmem:s17+$0x60B0]  }
0x2b1: {  	v21 =	vld [tilespmem:s17+$0x6140]  }
0x2b2: {  	v22 =	vld [tilespmem:s17+$0xE0E0]  }
0x2b3: {  	(xrf2) =	vadd.scan.msk.f32 $0xffff, v10;
	v10 =	vld [tilespmem:s17+$0x60E0]  }
0x2b4: {  	v23 =	vld [tilespmem:s17+$0xE0B1];
	(xrf2) =	vadd.scan.msk.f32 $0xffff, v11  }
0x2b5: {  	v24 =	vld [tilespmem:s17+$0x6100]  }
0x2b6: {  	v15 =	vld.idx.msk [tilespmem:v15+s3+$0x0], $0xffff  }
0x2b7: {  	v12 =	vld.idx.msk [tilespmem:v12+s3+$0x0], $0xffff  }
0x2b8: {  	vm1 =	vcmask $0x3F3C;
	v25 =	vld [tilespmem:s17+$0xE0B0];
	vm0 =	vne.s32 v13, v17  }
0x2b9: {  	vm1 =	vmor vm0, vm1;
	v20 =	vld.idx.msk [tilespmem:v20+s3+$0x0], $0xffff  }
0x2ba: {  	v21 =	vld.idx.msk [tilespmem:v21+s3+$0x0], $0xffff  }
0x2bb: {  	(xrf2) =	vadd.scan.msk.f32 $0xffff, v15;
	v10 =	vld.idx.msk [tilespmem:v10+s3+$0x0], $0xffff  }
0x2bc: {  	vm3 =	vcmask $0x3F3C;
	v62 =	vld [tilespmem:s17+$0xE081];
	(xrf2) =	vadd.scan.msk.f32 $0xffff, v12  }
0x2bd: {  	vm2 =	vne.s32 v7, v8;
	vm4 =	vne.s32 v3, v18;
	vm0 =	vmand vm0, vm15;
	v19 =	vld.idx.msk [tilespmem:v19+s3+$0x0], $0xffff;
	v61, _, _ =	vpop (xrf2)  }
0x2be: {  	vm11 =	vmor vm2, vm3;
	vm3 =	vne.s32 v4, v1;
	v17 =	vnsel vm0, $0x0, v17;
	v11 =	vld [tilespmem:s17+$0xE0E1];
	(xrf2) =	vadd.scan.msk.f32 $0xffff, v20;
	v12, _, _ =	vpop (xrf2)  }
0x2bf: {  	(xrf2) =	vadd.scan.msk.f32 $0xffff, v21;
	[tilespmem:v13+s25+$0x0] =	vst.idx.add.f32.msk vm1, v12;
	vm1 =	vmand vm2, vm15;
	vm2 =	vcmask $0x3F3C  }
0x2c0: {  	v15 =	vld.idx.msk [tilespmem:v16+s3+$0x0], $0xffff;
	(xrf2) =	vadd.scan.msk.f32 $0xffff, v10;
	v8 =	vnsel vm1, $0x0, v8;
	vm7 =	vmor vm4, vm2;
	vm2 =	vcmask $0x3F3C  }
0x2c1: {  	v12 =	vsub.f32 $0.0e+00, v12;
	v10 =	vld.idx.msk [tilespmem:v24+s3+$0x0], $0xffff;
	vm8 =	vmor vm3, vm2  }
0x2c2: {  	vm10 =	vcmask $0x3F3C;
	v63 =	vld [tilespmem:s17+$0xE0C0];
	vm5 =	vne.s32 v2, v9;
	vm2 =	vne.s32 v25, v23;
	(xrf2) =	vadd.scan.msk.f32 $0xffff, v19  }
0x2c3: {  	[tilespmem:v17+s25+$0x0] =	vst.idx.add.f32.msk vm0, v12;
	v12 =	vsub.f32 $0.0e+00, v61;
	vm0 =	vcmask $0x3F3C;
	vm10 =	vmor vm2, vm10  }
0x2c4: {  	vm9 =	vne.s32 v22, v11;
	[tilespmem:v7+s25+$0x0] =	vst.idx.add.f32.msk vm11, v61;
	vm11 =	vcmask $0x3F3C;
	vm0 =	vmor vm5, vm0  }
0x2c5: {  	vm11 =	vmor vm9, vm11;
	v7, _, _ =	vpop (xrf2);
	(xrf2) =	vadd.scan.msk.f32 $0xffff, v15;
	[tilespmem:v8+s25+$0x0] =	vst.idx.add.f32.msk vm1, v12  }
0x2c6: {  	(xrf2) =	vadd.scan.msk.f32 $0xffff, v10;
	v8, _, _ =	vpop (xrf2);
	[tilespmem:v3+s25+$0x0] =	vst.idx.add.f32.msk vm7, v7  }
0x2c7: {  	vm1 =	vmand vm9, vm15;
	vm7 =	vne.s32 v14, v62;
	[tilespmem:v4+s25+$0x0] =	vst.idx.add.f32.msk vm8, v8;
	vm8 =	vcmask $0x3F3C  }
0x2c8: {  	v13 =	vld [tilespmem:s17+$0xE0C1];
	v3, _, _ =	vpop (xrf2);
	v4 =	vnsel vm1, $0x0, v11;
	vm8 =	vmor vm7, vm8  }
0x2c9: {  	v10, _, _ =	vpop (xrf2);
	[tilespmem:v25+s25+$0x0] =	vst.idx.add.f32.msk vm10, v3  }
0x2ca: {  	[tilespmem:v2+s25+$0x0] =	vst.idx.add.f32.msk vm0, v10;
	vm0 =	vne.s32 v5, v6;
	vm7 =	vmand vm7, vm15;
	vm10 =	vcmask $0x3F3C;
	v2, _, _ =	vpop (xrf2)  }
0x2cb: {  	vm10 =	vmor vm0, vm10;
	v11 =	vnsel vm7, $0x0, v62;
	[tilespmem:v22+s25+$0x0] =	vst.idx.add.f32.msk vm11, v2;
	v2 =	vsub.f32 $0.0e+00, v2  }
0x2cc: {  	vm5 =	vmand vm5, vm15;
	v12 =	vld [tilespmem:s17+$0x6120]  }
0x2cd: {  	[tilespmem:v4+s25+$0x0] =	vst.idx.add.f32.msk vm1, v2;
	v2 =	vnsel vm5, $0x0, v9;
	v4, _, _ =	vpop (xrf2)  }
0x2ce: {  	vm12 =	vne.s32 v63, v13;
	vm9 =	vcmask $0x3F3C;
	[tilespmem:v14+s25+$0x0] =	vst.idx.add.f32.msk vm8, v4;
	v4 =	vsub.f32 $0.0e+00, v4  }
0x2cf: {  	vm9 =	vmor vm12, vm9;
	vm0 =	vmand vm0, vm15;
	v9, _, _ =	vpop (xrf2)  }
0x2d0: {  	[tilespmem:v11+s25+$0x0] =	vst.idx.add.f32.msk vm7, v4;
	v4 =	vnsel vm0, $0x0, v6;
	v6 =	vsub.f32 $0.0e+00, v10;
	v10, _, _ =	vpop (xrf2)  }
0x2d1: {  	[tilespmem:v5+s25+$0x0] =	vst.idx.add.f32.msk vm10, v10  }
0x2d2: {  	[tilespmem:v2+s25+$0x0] =	vst.idx.add.f32.msk vm5, v6  }
0x2d3: {  	v2 =	vld [tilespmem:s17+$0x6110]  }
0x2d4: {  	vm1 =	vmand vm4, vm15;
	v5 =	vsub.f32 $0.0e+00, v10;
	v6 =	vld.idx.msk [tilespmem:v12+s3+$0x0], $0xffff  }
0x2d5: {  	[tilespmem:v63+s25+$0x0] =	vst.idx.add.f32.msk vm9, v9;
	v12 =	vnsel vm1, $0x0, v18  }
0x2d6: {  	[tilespmem:v4+s25+$0x0] =	vst.idx.add.f32.msk vm0, v5;
	vm0 =	vmand vm12, vm15  }
0x2d7: {  	v4 =	vld [tilespmem:s17+$0xE120];
	v10 =	vnsel vm0, $0x0, v13  }
0x2d8: {  	v7 =	vsub.f32 $0.0e+00, v7;
	v5 =	vld [tilespmem:s17+$0xE121]  }
0x2d9: {  	v13 =	vld [tilespmem:s17+$0x6150];
	(xrf2) =	vadd.scan.msk.f32 $0xffff, v6  }
0x2da: {  	v9 =	vsub.f32 $0.0e+00, v9;
	[tilespmem:v12+s25+$0x0] =	vst.idx.add.f32.msk vm1, v7  }
0x2db: {  	v2 =	vld.idx.msk [tilespmem:v2+s3+$0x0], $0xffff  }
0x2dc: {  	[tilespmem:v10+s25+$0x0] =	vst.idx.add.f32.msk vm0, v9  }
0x2dd: {  	vm1 =	vcmask $0x3F3C;
	vm0 =	vne.s32 v4, v5;
	v9 =	vld [tilespmem:s17+$0x6170]  }
0x2de: {  	v11 =	vld [tilespmem:s17+$0xE111];
	vm1 =	vmor vm0, vm1  }
0x2df: {  	v6 =	vld [tilespmem:s17+$0x60F0]  }
0x2e0: {  	v7 =	vld [tilespmem:s17+$0xE110];
	vm0 =	vmand vm0, vm15  }
0x2e1: {  	v5 =	vnsel vm0, $0x0, v5;
	v12 =	vld.idx.msk [tilespmem:v13+s3+$0x0], $0xffff  }
0x2e2: {  	v14 =	vld [tilespmem:s17+$0x6160];
	(xrf2) =	vadd.scan.msk.f32 $0xffff, v2  }
0x2e3: {  	vm3 =	vmand vm3, vm15;
	v10 =	vld [tilespmem:s17+$0xE151];
	v2, _, _ =	vpop (xrf2)  }
0x2e4: {  	v1 =	vnsel vm3, $0x0, v1;
	v15 =	vsub.f32 $0.0e+00, v2;
	[tilespmem:v4+s25+$0x0] =	vst.idx.add.f32.msk vm1, v2  }
0x2e5: {  	vm2 =	vmand vm2, vm15;
	v4 =	vld.idx.msk [tilespmem:v9+s3+$0x0], $0xffff  }
0x2e6: {  	vm1 =	vne.s32 v7, v11;
	(xrf2) =	vadd.scan.msk.f32 $0xffff, v12;
	[tilespmem:v5+s25+$0x0] =	vst.idx.add.f32.msk vm0, v15;
	vm0 =	vcmask $0x3F3C  }
0x2e7: {  	v13 =	vld [tilespmem:s17+$0xE150];
	v2 =	vsub.f32 $0.0e+00, v8;
	v8 =	vnsel vm2, $0x0, v23;
	vm0 =	vmor vm1, vm0  }
0x2e8: {  	v3 =	vsub.f32 $0.0e+00, v3;
	v6 =	vld.idx.msk [tilespmem:v6+s3+$0x0], $0xffff  }
0x2e9: {  	[tilespmem:v1+s25+$0x0] =	vst.idx.add.f32.msk vm3, v2  }
0x2ea: {  	v1 =	vld [tilespmem:s17+$0xE171]  }
0x2eb: {  	v2 =	vld [tilespmem:s17+$0xE170];
	vm1 =	vmand vm1, vm15;
	(xrf2) =	vadd.scan.msk.f32 $0xffff, v4  }
0x2ec: {  	[tilespmem:v8+s25+$0x0] =	vst.idx.add.f32.msk vm2, v3;
	v4 =	vnsel vm1, $0x0, v11;
	v3, _, _ =	vpop (xrf2)  }
0x2ed: {  	vm2 =	vne.s32 v13, v10;
	[tilespmem:v7+s25+$0x0] =	vst.idx.add.f32.msk vm0, v3;
	vm0 =	vcmask $0x3F3C  }
0x2ee: {  	v5 =	vld [tilespmem:s17+$0xE0F1];
	vm0 =	vmor vm2, vm0  }
0x2ef: {  	vm3 =	vmand vm2, vm15;
	v7 =	vld.idx.msk [tilespmem:v14+s3+$0x0], $0xffff;
	v3 =	vsub.f32 $0.0e+00, v3  }
0x2f0: {  	v8 =	vnsel vm3, $0x0, v10;
	v14 =	vld [tilespmem:s17+$0xE0F0];
	v9, _, _ =	vpop (xrf2)  }
0x2f1: {  	[tilespmem:v4+s25+$0x0] =	vst.idx.add.f32.msk vm1, v3;
	v3 =	vsub.f32 $0.0e+00, v9  }
0x2f2: {  	v11 =	vld [tilespmem:s17+$0xE161]  }
0x2f3: {  	vm1 =	vne.s32 v2, v1;
	v4 =	vld [tilespmem:s17+$0xE160]  }
0x2f4: {  	(xrf2) =	vadd.scan.msk.f32 $0xffff, v6;
	vm7 =	vmmov vm1;
	[tilespmem:v13+s25+$0x0] =	vst.idx.add.f32.msk vm0, v9;
	vm0 =	vcmask $0x3F3C  }
0x2f5: {  	s16 =	simm.s32 $0x6000;
	s17 =	simm.s32 $0x400;
	(xrf2) =	vadd.scan.msk.f32 $0xffff, v7;
	[tilespmem:v8+s25+$0x0] =	vst.idx.add.f32.msk vm3, v3;
	vm4 =	vmor vm7, vm0;
	vm3 =	vne.s32 v14, v5;
	v3, _, _ =	vpop (xrf2)  }
.LBB2_10:
0x2f6: {  	_ =	sdelay $0x4  }
0x2f7: {  	s18 =	sshra.s32 s17, $0x2;
	[tilespmem:v2+s25+$0x0] =	vst.idx.add.f32.msk vm4, v3  }
0x2f8: {  	v7 =	vld [tilespmem:s18+$0xE140]  }
0x2f9: {  	v13 =	vld [tilespmem:s18+$0xE0D0]  }
0x2fa: {  	v15 =	vld [tilespmem:s18+$0xE171]  }
0x2fb: {  	v12 =	vld [tilespmem:s18+$0xE130]  }
0x2fc: {  	v16 =	vsub.f32 $0.0e+00, v3;
	v3 =	vld [tilespmem:s18+$0xE120]  }
0x2fd: {  	v19 =	vld [tilespmem:s18+$0xE121]  }
0x2fe: {  	v20 =	vld [tilespmem:s18+$0xE131]  }
0x2ff: {  	v6 =	vld [tilespmem:s18+$0xE100]  }
0x300: {  	v23 =	vld [tilespmem:s18+$0xE101]  }
0x301: {  	v18 =	vld [tilespmem:s18+$0xE0A0]  }
0x302: {  	v24 =	vld [tilespmem:s18+$0xE0A1]  }
0x303: {  	v10 =	vld [tilespmem:s18+$0xE141]  }
0x304: {  	v25 =	vld [tilespmem:s18+$0x6130]  }
0x305: {  	v26 =	vld [tilespmem:s18+$0xE090]  }
0x306: {  	v27 =	vld [tilespmem:s18+$0x60A0]  }
0x307: {  	v28 =	vld [tilespmem:s18+$0x6090]  }
0x308: {  	v9 =	vld [tilespmem:s18+$0xE080]  }
0x309: {  	v29 =	vld [tilespmem:s18+$0x60C0]  }
0x30a: {  	v8 =	vld [tilespmem:s18+$0x60F0]  }
0x30b: {  	v30 =	vld [tilespmem:s18+$0x60D0]  }
0x30c: {  	v31 =	vld [tilespmem:s18+$0xE091]  }
0x30d: {  	vm0 =	vcmask $0x3F3C;
	v54 =	vld [tilespmem:s18+$0x6120];
	vm4 =	vne.s32 v4, v11  }
0x30e: {  	v55 =	vld [tilespmem:s18+$0xE0D1];
	vm0 =	vmor vm4, vm0  }
0x30f: {  	v56 =	vld [tilespmem:s18+$0x6080]  }
0x310: {  	v57 =	vld [tilespmem:s18+$0x60B0]  }
0x311: {  	v59 =	vld [tilespmem:s18+$0x60E0]  }
0x312: {  	v60 =	vld [tilespmem:s18+$0xE0E0];
	v17, _, _ =	vpop (xrf2);
	vm1 =	vmand vm4, vm15  }
0x313: {  	v61 =	vld [tilespmem:s18+$0x6140];
	v11 =	vnsel vm1, $0x0, v11;
	v2, _, _ =	vpop (xrf2)  }
0x314: {  	[tilespmem:v4+s25+$0x0] =	vst.idx.add.f32.msk vm0, v2;
	vm0 =	vcmask $0x3F3C  }
0x315: {  	v62 =	vld [tilespmem:s18+$0xE0E1];
	vm0 =	vmor vm3, vm0  }
0x316: {  	v22 =	vsub.f32 $0.0e+00, v2;
	v2 =	vld [tilespmem:s18+$0xE170]  }
0x317: {  	v53 =	vld.idx.msk [tilespmem:v27+s3+$0x0], $0xffff  }
0x318: {  	[tilespmem:v11+s25+$0x0] =	vst.idx.add.f32.msk vm1, v22  }
0x319: {  	vm3 =	vmand vm3, vm15;
	v11 =	vld.idx.msk [tilespmem:v28+s3+$0x0], $0xffff  }
0x31a: {  	vm5 =	vmand vm7, vm15;
	v32 =	vimm.s32 $0x0;
	v58 =	vld.idx.msk [tilespmem:v30+s3+$0x0], $0xffff;
	v5 =	vnsel vm3, $0x0, v5  }
0x31b: {  	v21 =	vsub.f32 $0.0e+00, v17;
	vm4 =	vne.s32 v2, v15;
	[tilespmem:v14+s25+$0x0] =	vst.idx.add.f32.msk vm0, v17;
	v14 =	vnsel vm5, $0x0, v1  }
0x31c: {  	v63 =	vld [tilespmem:s18+$0xE0B1];
	vm9 =	vne.s32 v12, v20;
	vm1 =	vne.s32 v6, v23;
	vm2 =	vmmov vm4  }
0x31d: {  	v37 =	vld [tilespmem:s18+$0x6100];
	(xrf2) =	vadd.scan.msk.f32 $0xffff, v53;
	v32 =	vsel vm2, $0xFFFFFFFF, v32;
	vm0 =	vne.s32 v18, v24;
	vm2 =	vcmask $0x3F3C  }
0x31e: {  	v40 =	vld [tilespmem:s18+$0xE0B0];
	(xrf2) =	vadd.scan.msk.f32 $0xffff, v11;
	vm11 =	vmor vm0, vm2;
	vm10 =	vmand vm0, vm15;
	vm0 =	vcmask $0x3F3C  }
0x31f: {  	(xrf2) =	vadd.scan.msk.f32 $0xffff, v58;
	[tilespmem:v5+s25+$0x0] =	vst.idx.add.f32.msk vm3, v21;
	v5 =	vnsel vm10, $0x0, v24;
	vm3 =	vmor vm1, vm0  }
0x320: {  	vm0 =	vne.s32 v3, v19;
	[tilespmem:v14+s25+$0x0] =	vst.idx.add.f32.msk vm5, v16;
	vm5 =	vmand vm1, vm15;
	vm1 =	vcmask $0x3F3C  }
0x321: {  	v41 =	vld [tilespmem:s18+$0xE0C1];
	vm4 =	vmand vm0, vm15;
	v14 =	vimm.s32 $0x0;
	vm1 =	vmor vm0, vm1  }
0x322: {  	v44 =	vld [tilespmem:s18+$0xE151];
	vm0 =	vne.s32 v13, v55;
	v14 =	vsel vm1, $0xFFFFFFFF, v14;
	vm1 =	vcmask $0x3F3C  }
0x323: {  	v36 =	vld.idx.msk [tilespmem:v25+s3+$0x0], $0xffff;
	vm7 =	vmand vm0, vm15;
	vm12 =	vmor vm9, vm1;
	vm1 =	vcmask $0x3F3C  }
0x324: {  	v24 =	vld.idx.msk [tilespmem:v57+s3+$0x0], $0xffff;
	vm14 =	vmor vm0, vm1;
	vm0 =	vne.s32 v26, v31;
	vm1 =	vcmask $0x3F3C  }
0x325: {  	v45 =	vld [tilespmem:s18+$0xE081];
	vm1 =	vmor vm0, vm1  }
0x326: {  	v49 =	vld [tilespmem:s18+$0xE150]  }
0x327: {  	v52 =	vld [tilespmem:s18+$0xE0C0];
	v33, _, _ =	vpop (xrf2);
	vm0 =	vmand vm0, vm15  }
0x328: {  	v38 =	vld.idx.msk [tilespmem:v59+s3+$0x0], $0xffff;
	v34, _, _ =	vpop (xrf2);
	(xrf2) =	vadd.scan.msk.f32 $0xffff, v36;
	v31 =	vnsel vm0, $0x0, v31  }
0x329: {  	[tilespmem:$0x1FFD0] =	vst v14;
	v14 =	vnsel vm4, $0x0, v19;
	v19 =	vld.idx.msk [tilespmem:v61+s3+$0x0], $0xffff;
	v42, _, _ =	vpop (xrf2);
	(xrf2) =	vadd.scan.msk.f32 $0xffff, v24  }
0x32a: {  	v29 =	vld.idx.msk [tilespmem:v29+s3+$0x0], $0xffff  }
0x32b: {  	[tilespmem:v26+s25+$0x0] =	vst.idx.add.f32.msk vm1, v34;
	v34 =	vsub.f32 $0.0e+00, v34  }
0x32c: {  	v21 =	vld.idx.msk [tilespmem:v56+s3+$0x0], $0xffff  }
0x32d: {  	vm1 =	vcmask $0x3F3C;
	[tilespmem:v31+s25+$0x0] =	vst.idx.add.f32.msk vm0, v34;
	vm0 =	vne.s32 v40, v63  }
0x32e: {  	v50 =	vld.idx.msk [tilespmem:v37+s3+$0x0], $0xffff;
	(xrf2) =	vadd.scan.msk.f32 $0xffff, v19;
	vm1 =	vmor vm0, vm1  }
0x32f: {  	v4 =	vld [tilespmem:s18+$0xE111];
	(xrf2) =	vadd.scan.msk.f32 $0xffff, v38  }
0x330: {  	v53 =	vld [tilespmem:s18+$0x6110]  }
0x331: {  	v11 =	vld [tilespmem:s18+$0xE110]  }
0x332: {  	vm13 =	vne.s32 v60, v62;
	[tilespmem:v18+s25+$0x0] =	vst.idx.add.f32.msk vm11, v33;
	v47, _, _ =	vpop (xrf2);
	(xrf2) =	vadd.scan.msk.f32 $0xffff, v21  }
0x333: {  	vm2 =	vcmask $0x3F3C;
	v43 =	vsub.f32 $0.0e+00, v33;
	vm9 =	vmand vm9, vm15;
	[tilespmem:v13+s25+$0x0] =	vst.idx.add.f32.msk vm14, v42;
	v51, _, _ =	vpop (xrf2)  }
0x334: {  	vm15 =	vne.s32 v7, v10;
	vm14 =	vmand vm13, vm6;
	[tilespmem:v40+s25+$0x0] =	vst.idx.add.f32.msk vm1, v51;
	vm1 =	vcmask $0x3F3C  }
0x335: {  	[tilespmem:v5+s25+$0x0] =	vst.idx.add.f32.msk vm10, v43;
	vm10 =	vmand vm0, vm6;
	vm0 =	vcmask $0x3F3C;
	vm1 =	vmor vm13, vm1  }
0x336: {  	[tilespmem:v12+s25+$0x0] =	vst.idx.add.f32.msk vm12, v47;
	vm0 =	vmor vm15, vm0;
	vm12 =	vmand vm15, vm6;
	vm15 =	vne.s32 v9, v45  }
0x337: {  	v16 =	vnsel vm7, $0x0, v55;
	v55 =	vld [tilespmem:s18+$0x6150];
	v12 =	vnsel vm14, $0x0, v62;
	vm2 =	vmor vm15, vm2  }
0x338: {  	v13 =	vld.idx.msk [tilespmem:v54+s3+$0x0], $0xffff;
	(xrf2) =	vadd.scan.msk.f32 $0xffff, v29;
	v54, _, _ =	vpop (xrf2)  }
0x339: {  	[tilespmem:$0x1FFC0] =	vst v32;
	v56 =	vld [tilespmem:s18+$0x6160];
	v32, _, _ =	vpop (xrf2);
	(xrf2) =	vadd.scan.msk.f32 $0xffff, v50  }
0x33a: {  	v58 =	vld [tilespmem:s18+$0x6170];
	v57 =	vsub.f32 $0.0e+00, v32  }
0x33b: {  	[tilespmem:v60+s25+$0x0] =	vst.idx.add.f32.msk vm1, v32  }
0x33c: {  	[tilespmem:v12+s25+$0x0] =	vst.idx.add.f32.msk vm14, v57;
	v12, _, _ =	vpop (xrf2)  }
0x33d: {  	[tilespmem:v9+s25+$0x0] =	vst.idx.add.f32.msk vm2, v12  }
0x33e: {  	v9 =	vld.idx.msk [tilespmem:v53+s3+$0x0], $0xffff  }
0x33f: {  	v5 =	vld [tilespmem:s18+$0xE0F1];
	v46 =	vsub.f32 $0.0e+00, v42  }
0x340: {  	v59 =	vld.idx.msk [tilespmem:v55+s3+$0x0], $0xffff  }
0x341: {  	v1 =	vmov v15;
	v15 =	vnsel vm5, $0x0, v23;
	[tilespmem:v16+s25+$0x0] =	vst.idx.add.f32.msk vm7, v46  }
0x342: {  	[tilespmem:v7+s25+$0x0] =	vst.idx.add.f32.msk vm0, v54;
	(xrf2) =	vadd.scan.msk.f32 $0xffff, v13;
	v60, _, _ =	vpop (xrf2)  }
0x343: {  	vm13 =	vmand vm15, vm6;
	v61 =	vsub.f32 $0.0e+00, v12;
	v12, _, _ =	vpop (xrf2);
	(xrf2) =	vadd.scan.msk.f32 $0xffff, v9;
	v9 =	vld [tilespmem:$0x1FFD0]  }
0x344: {  	vm0 =	vne.s32 v52, v41;
	vm15 =	vcmask $0x3F3C;
	[tilespmem:v6+s25+$0x0] =	vst.idx.add.f32.msk vm3, v12;
	v6 =	vsub.f32 $0.0e+00, v12  }
0x345: {  	v62 =	vld.idx.msk [tilespmem:v56+s3+$0x0], $0xffff;
	v10 =	vnsel vm12, $0x0, v10;
	vm15 =	vmor vm0, vm15  }
0x346: {  	vm0 =	vmand vm0, vm6;
	[tilespmem:v15+s25+$0x0] =	vst.idx.add.f32.msk vm5, v6  }
0x347: {  	v13 =	vnsel vm0, $0x0, v41;
	v6 =	vld.idx.msk [tilespmem:v8+s3+$0x0], $0xffff  }
0x348: {  	v7 =	vsub.f32 $0.0e+00, v54;
	v18 =	vnsel vm13, $0x0, v45;
	v8 =	vld [tilespmem:$0x1FFC0];
	vm1 =	vnez.u8 v9  }
0x349: {  	v48 =	vnsel vm10, $0x0, v63;
	v63 =	vld.idx.msk [tilespmem:v58+s3+$0x0], $0xffff  }
0x34a: {  	[tilespmem:v10+s25+$0x0] =	vst.idx.add.f32.msk vm12, v7;
	v21 =	vsub.f32 $0.0e+00, v60;
	(xrf2) =	vadd.scan.msk.f32 $0xffff, v59  }
0x34b: {  	vm8 =	vne.s32 v11, v4;
	[tilespmem:v52+s25+$0x0] =	vst.idx.add.f32.msk vm15, v60  }
0x34c: {  	vm11 =	vne.s32 v49, v44;
	v39 =	vnsel vm9, $0x0, v20;
	[tilespmem:v13+s25+$0x0] =	vst.idx.add.f32.msk vm0, v21;
	vm0 =	vcmask $0x3F3C;
	v7, _, _ =	vpop (xrf2)  }
0x34d: {  	[tilespmem:v18+s25+$0x0] =	vst.idx.add.f32.msk vm13, v61;
	vm0 =	vmor vm8, vm0;
	vm7 =	vnez.u8 v8;
	v8 =	vsub.f32 $0.0e+00, v7  }
0x34e: {  	vm2 =	vcmask $0x3F3C;
	(xrf2) =	vadd.scan.msk.f32 $0xffff, v63;
	[tilespmem:v3+s25+$0x0] =	vst.idx.add.f32.msk vm1, v7;
	v3 =	vsub.f32 $0.0e+00, v47  }
0x34f: {  	vm2 =	vmor vm11, vm2;
	[tilespmem:v14+s25+$0x0] =	vst.idx.add.f32.msk vm4, v8  }
0x350: {  	v7 =	vsub.f32 $0.0e+00, v51;
	vm1 =	vmand vm8, vm6;
	v14 =	vld [tilespmem:s18+$0xE0F0]  }
0x351: {  	v4 =	vnsel vm1, $0x0, v4;
	[tilespmem:v39+s25+$0x0] =	vst.idx.add.f32.msk vm9, v3  }
0x352: {  	s16 =	sadd.s32 $0x100, s16;
	vm5 =	vmand vm11, vm6;
	[tilespmem:v48+s25+$0x0] =	vst.idx.add.f32.msk vm10, v7;
	v3, _, _ =	vpop (xrf2)  }
0x353: {  	p0 =	slt.u32 s16, $0x7F00;
	(xrf2) =	vadd.scan.msk.f32 $0xffff, v6;
	v6 =	vnsel vm5, $0x0, v44;
	[tilespmem:v11+s25+$0x0] =	vst.idx.add.f32.msk vm0, v3  }
.Ltmp4:
0x354: {  	v7 =	vsub.f32 $0.0e+00, v3;
	v11 =	vld [tilespmem:s18+$0xE161];
	v3, _, _ =	vpop (xrf2);
	(pc) =	sbr.rel @p0 .LBB2_10-.Ltmp4, $4  }
0x355: {  	[tilespmem:v49+s25+$0x0] =	vst.idx.add.f32.msk vm2, v3  }
0x356: {  	[tilespmem:v4+s25+$0x0] =	vst.idx.add.f32.msk vm1, v7;
	v7 =	vsub.f32 $0.0e+00, v3  }
0x357: {  	vm15 =	vmmov vm6;
	vm0 =	vcmask $0x3F3C;
	v4 =	vld [tilespmem:s18+$0xE160]  }
0x358: {  	s17 =	sadd.s32 $0x400, s17;
	(xrf2) =	vadd.scan.msk.f32 $0xffff, v62;
	vm4 =	vmor vm7, vm0;
	vm3 =	vne.s32 v14, v5;
	v3, _, _ =	vpop (xrf2);
	[tilespmem:v6+s25+$0x0] =	vst.idx.add.f32.msk vm5, v7  }
0x359: {  	_ =	sdelay $0x2  }
0x35a: {  	vm2 =	vmmov vm0;
	vm5 =	vmand vm7, vm15;
	vm10 =	vne.s32 v4, v11  }
0x35b: {  	v1 =	vnsel vm5, $0x0, v1;
	vm1 =	vmor vm10, vm2  }
0x35c: {  	vm2 =	vmor vm3, vm2  }
0x35d: {  	vm11 =	vmand vm3, vm15  }
0x35e: {  	[tilespmem:v2+s25+$0x0] =	vst.idx.add.f32.msk vm4, v3;
	v3 =	vsub.f32 $0.0e+00, v3;
	v5 =	vnsel vm11, $0x0, v5;
	vm0 =	vmand vm10, vm15  }
0x35f: {  	v7, _, _ =	vpop (xrf2);
	v6 =	vnsel vm0, $0x0, v11  }
0x360: {  	[tilespmem:v1+s25+$0x0] =	vst.idx.add.f32.msk vm5, v3;
	v2, _, _ =	vpop (xrf2)  }
0x361: {  	v63 =	vsub.f32 $0.0e+00, v7;
	[tilespmem:v4+s25+$0x0] =	vst.idx.add.f32.msk vm1, v2  }
0x362: {  	s15 =	sadd.s32 $0x1, s15;
	v2 =	vsub.f32 $0.0e+00, v2;
	[tilespmem:v14+s25+$0x0] =	vst.idx.add.f32.msk vm2, v7  }
0x363: {  	p0 =	sne.s32 s15, s13;
	[tilespmem:v5+s25+$0x0] =	vst.idx.add.f32.msk vm11, v63  }
.Ltmp5:
0x364: {  	[tilespmem:v6+s25+$0x0] =	vst.idx.add.f32.msk vm0, v2;
	(pc) =	sbr.rel @p0 .LBB2_1-.Ltmp5, $4  }
0x365: {  	[hbm4b:s12+s14] =	stream.strided.scatter [tilespmem:s25], [sflag:$0xA], $0x4000, s2, s14, $0x38;
	[tilespmem:$0x14100] =	vst v63  }
0x366: {  	_ =	swait.ge [sflag:s1], $0x4000  }
0x367: {  	[sflag:s1] =	ssyncset.done $0x0  }
0x368: {  	[sflag:s1] =	ssyncadd.s32 $0xFFFFC000  }
0x369: {  	_ =	sfence.sel $0x180000  }
0x36a: {  	[bflag:$0x0] =	sbarrier.arrive $0xFFFF  }
0x36b: {  	_ =	strace $0x90000047  }
0x36c: {  	s0 =	stileid.u32;
	[bflag:$0x2] =	sbarrier.arrive $0xFFFF  }
0x36d: {  	p0 =	sne.s32 s0, $0x0;
	s0 =	rddreg [dreg:$0x4]  }
0x36e: {  	s0 =	sadd.s32 @!p0 $0x100000, s0  }
0x36f: {  	[sflag:s0] =	ssyncadd.tile.s32 @!p0 $0x1;
	_ =	shalt  }
.Lfunc_end2:
_tile_overlayer_lowered:
.L_overlay_start_2:
0x370: {  	(tag) =	ssettag $0x2  }
0x371: {  	s0 =	rddreg [dreg:$0x0];
	s2 =	stileid.u32  }
0x372: {  	s1 =	rddreg [dreg:$0x1];
	p0 =	sne.s32 s2, $0x0  }
0x373: {  	s3 =	rddreg [dreg:$0x2];
	[bflag:$0x3] =	sbarrier.arrive $0xFFFF;
	s2 =	simm.s32 @!p0 $0x1C0A  }
0x374: {  	[timem:s3], [sflag:s2] =	dma.local @!p0 [hbm:s0], s1  }
0x375: {  	s0 =	simm.s32 @!p0 $0xA  }
0x376: {  	_ =	swait.ge @!p0 [sflag:s0], s1  }
0x377: {  	s1 =	ssub.s32 @!p0 $0x0, s1;
	[sflag:s0] =	ssyncset.done @!p0 $0x0  }
0x378: {  	[sflag:s0] =	ssyncadd.s32 @!p0 s1  }
0x379: {  	[bflag:$0x3] =	sbarrier.arrive $0xFFFF  }
0x37a: {  	_ =	shalt  }

</sc_bundles>
